<compile_context>
chip_gen: v7x
topology: tpu7x:2x2x1
jax: 0.10.2.dev20260603
libtpu: 0.0.44.dev20260713+nightly
codegen_flags: <defaults>
</compile_context>

<pallas_src>
import functools

import jax
import jax.numpy as jnp
from jax import lax
from jax.experimental import pallas as pl
from jax.experimental.pallas import tpu as pltpu
from jax.experimental.pallas import tpu_sc as plsc

VOCAB = 1000
D = 1000
B = 1024
T = 50
TP = 56
NC = 2
NS = 16
NW = NC * NS
NVT = D // 8


def _make_gather():
    mesh = plsc.VectorSubcoreMesh(core_axis_name="c", subcore_axis_name="s")

    @functools.partial(
        pl.kernel,
        mesh=mesh,
        compiler_params=pltpu.CompilerParams(needs_layout_passes=False),
        out_type=jax.ShapeDtypeStruct((T, D, B), jnp.float32),
        scratch_types=[
            pltpu.VMEM((TP, B), jnp.int32),
            pltpu.VMEM((8, B), jnp.float32),
            pltpu.VMEM((1, 8, B), jnp.float32),
            pltpu.VMEM((1, 8, B), jnp.float32),
            pltpu.SemaphoreType.DMA,
            pltpu.SemaphoreType.DMA,
        ],
    )
    def k(idx_hbm, tableT_hbm, out_hbm, idx_v, slab, os0, os1, o0, o1):
        wid = lax.axis_index("s") * NC + lax.axis_index("c")
        lo = wid * NVT // NW
        hi = (wid + 1) * NVT // NW
        pltpu.sync_copy(idx_hbm, idx_v)

        outslabs = (os0, os1)
        osems = (o0, o1)
        rvecs = [jnp.full((16,), r, dtype=jnp.int32) for r in range(8)]

        @pl.loop(lo, hi)
        def _(vt):
            v8 = pl.multiple_of(vt * 8, 8)
            pltpu.sync_copy(tableT_hbm.at[pl.ds(v8, 8)], slab)

            @pl.loop(0, T, step=2)
            def _(c):
                for b in range(2):
                    t = c + b
                    outslab = outslabs[b]
                    dst = out_hbm.at[pl.ds(t, 1), pl.ds(v8, 8), :]
                    @pl.when(t >= 2)
                    def _():
                        pltpu.make_async_copy(outslab, dst, osems[b]).wait()
                    @plsc.parallel_loop(0, B, step=16, unroll=8)
                    def _(col):
                        idx16 = idx_v[t, pl.ds(col, 16)]
                        for r in range(8):
                            outslab[0, r, pl.ds(col, 16)] = (
                                plsc.load_gather(slab, [rvecs[r], idx16]))
                    pltpu.async_copy(outslab, dst, osems[b])

            for b in range(2):
                pltpu.make_async_copy(
                    outslabs[b],
                    out_hbm.at[pl.ds(T - 2 + b, 1), pl.ds(v8, 8), :],
                    osems[b]).wait()

    return k


_gather = _make_gather()


def kernel(index, table):
    idx_t = jnp.pad(index.T.astype(jnp.int32), ((0, TP - T), (0, 0)))
    table_tp = jnp.pad(table.T, ((0, 0), (0, B - VOCAB)))
    out2 = _gather(idx_t, table_tp)
    return jnp.transpose(out2, (2, 0, 1))

# --- scband reference (transcript-rebuilt; emitter-appended) ---
"""Pipeline reference for scband-bigram-language-model-25615184953356 (READ-ONLY COPY).

The authoritative reference and input builder live on the scoring server;
editing this copy changes nothing except your own understanding.
"""

import jax, jax.numpy as jnp
import numpy as np

VOCAB = 1000
B = 1024
T = 50

def setup_inputs(seed: int = 0) -> dict:
    key = jax.random.key(seed)
    k1, k2 = jax.random.split(key)
    index = jax.random.randint(k1, (B, T), 0, VOCAB, dtype=jnp.int32)
    # learned parameter: nn.Embedding(vocab_size, vocab_size) weight
    table = jax.random.normal(k2, (VOCAB, VOCAB), dtype=jnp.float32) * 0.02
    return {"index": index, "table": table}

def reference(index, table):
    # BigramLanguageModel.forward with targets=None: logits = embedding(index)
    logits = jnp.take(table, index, axis=0)  # [B, T, vocab]
    return logits

if __name__ == "__main__":
    import jax
    _d = setup_inputs()
    print(jax.jit(kernel)(*tuple(_d.values())))

</pallas_src>

<mosaic_0001>
#map = affine_map<(d0, d1) -> (0, 0)>
#map1 = affine_map<(d0, d1) -> (0, 0, 0)>
module attributes {stable_mosaic.version = 14 : i64} {
  func.func @k(%arg0: i32, %arg1: i32, %arg2: memref<56x1024xi32, #tpu.memory_space<hbm>>, %arg3: memref<1000x1024xf32, #tpu.memory_space<hbm>>, %arg4: memref<50x1000x1024xf32, #tpu.memory_space<hbm>>, %arg5: memref<56x1024xi32, #tpu.memory_space<vmem>>, %arg6: memref<8x1024xf32, #tpu.memory_space<vmem>>, %arg7: memref<1x8x1024xf32, #tpu.memory_space<vmem>>, %arg8: memref<1x8x1024xf32, #tpu.memory_space<vmem>>, %arg9: memref<!tpu.dma_semaphore, #tpu.memory_space<semaphore_mem>>, %arg10: memref<!tpu.dma_semaphore, #tpu.memory_space<semaphore_mem>>) attributes {dimension_semantics = [#tpu.dimension_semantics<core_parallel>, #tpu.dimension_semantics<subcore_parallel>], iteration_bounds = array<i64: 2, 16>, scalar_prefetch = 0 : i64, scratch_operands = 6 : i64, tpu.core_type = #tpu.core_type<sc_vector_subcore>, window_params = [{transform_indices = #map}, {transform_indices = #map}, {transform_indices = #map1}]} {
    %mul3A = arith.constant 2 : i32
    %mul3A_0 = arith.muli %arg1, %mul3A : i32
    %add3A = arith.addi %mul3A_0, %arg0 : i32
    %mul3A_1 = arith.constant 125 : i32
    %mul3A_2 = arith.muli %add3A, %mul3A_1 : i32
    %jit3A = arith.constant 32 : i32
    %div3A = arith.divsi %mul3A_2, %jit3A : i32
    %sign3A = arith.constant 0 : i32
    %sign3A_3 = arith.cmpi sgt, %mul3A_2, %sign3A : i32
    %sign3A_4 = arith.extui %sign3A_3 : i1 to i32
    %sign3A_5 = arith.constant 0 : i32
    %sign3A_6 = arith.cmpi slt, %mul3A_2, %sign3A_5 : i32
    %sign3A_7 = arith.extui %sign3A_6 : i1 to i32
    %sign3A_8 = arith.subi %sign3A_4, %sign3A_7 : i32
    %sign3A_9 = arith.constant 0 : i32
    %sign3A_10 = arith.cmpi sgt, %jit3A, %sign3A_9 : i32
    %sign3A_11 = arith.extui %sign3A_10 : i1 to i32
    %sign3A_12 = arith.constant 0 : i32
    %sign3A_13 = arith.cmpi slt, %jit3A, %sign3A_12 : i32
    %sign3A_14 = arith.extui %sign3A_13 : i1 to i32
    %sign3A_15 = arith.subi %sign3A_11, %sign3A_14 : i32
    %ne3A = arith.cmpi ne, %sign3A_8, %sign3A_15 : i32
    %rem3A = arith.remsi %mul3A_2, %jit3A : i32
    %ne3A_16 = arith.constant 0 : i32
    %ne3A_17 = arith.cmpi ne, %rem3A, %ne3A_16 : i32
    %and3A = arith.andi %ne3A, %ne3A_17 : i1
    %sub3A = arith.constant 1 : i32
    %sub3A_18 = arith.subi %div3A, %sub3A : i32
    %select_n3A = arith.select %and3A, %sub3A_18, %div3A : i32
    %add3A_19 = arith.constant 1 : i32
    %add3A_20 = arith.addi %add3A, %add3A_19 : i32
    %mul3A_21 = arith.constant 125 : i32
    %mul3A_22 = arith.muli %add3A_20, %mul3A_21 : i32
    %jit3A_23 = arith.constant 32 : i32
    %div3A_24 = arith.divsi %mul3A_22, %jit3A_23 : i32
    %sign3A_25 = arith.constant 0 : i32
    %sign3A_26 = arith.cmpi sgt, %mul3A_22, %sign3A_25 : i32
    %sign3A_27 = arith.extui %sign3A_26 : i1 to i32
    %sign3A_28 = arith.constant 0 : i32
    %sign3A_29 = arith.cmpi slt, %mul3A_22, %sign3A_28 : i32
    %sign3A_30 = arith.extui %sign3A_29 : i1 to i32
    %sign3A_31 = arith.subi %sign3A_27, %sign3A_30 : i32
    %sign3A_32 = arith.constant 0 : i32
    %sign3A_33 = arith.cmpi sgt, %jit3A_23, %sign3A_32 : i32
    %sign3A_34 = arith.extui %sign3A_33 : i1 to i32
    %sign3A_35 = arith.constant 0 : i32
    %sign3A_36 = arith.cmpi slt, %jit3A_23, %sign3A_35 : i32
    %sign3A_37 = arith.extui %sign3A_36 : i1 to i32
    %sign3A_38 = arith.subi %sign3A_34, %sign3A_37 : i32
    %ne3A_39 = arith.cmpi ne, %sign3A_31, %sign3A_38 : i32
    %rem3A_40 = arith.remsi %mul3A_22, %jit3A_23 : i32
    %ne3A_41 = arith.constant 0 : i32
    %ne3A_42 = arith.cmpi ne, %rem3A_40, %ne3A_41 : i32
    %and3A_43 = arith.andi %ne3A_39, %ne3A_42 : i1
    %sub3A_44 = arith.constant 1 : i32
    %sub3A_45 = arith.subi %div3A_24, %sub3A_44 : i32
    %select_n3A_46 = arith.select %and3A_43, %sub3A_45, %div3A_24 : i32
    "tpu.region"() ({
      %run_scoped3A = tpu.sem_alloc : memref<!tpu.dma_semaphore, #tpu.memory_space<semaphore_mem>>
      tpu.enqueue_dma source(%arg2 : memref<56x1024xi32, #tpu.memory_space<hbm>>) target(%arg5 : memref<56x1024xi32, #tpu.memory_space<vmem>>) target_semaphore(%run_scoped3A : memref<!tpu.dma_semaphore, #tpu.memory_space<semaphore_mem>>)
      tpu.wait_dma2 semaphore(%run_scoped3A : memref<!tpu.dma_semaphore, #tpu.memory_space<semaphore_mem>>) src(%arg2 : memref<56x1024xi32, #tpu.memory_space<hbm>>) dst(%arg5 : memref<56x1024xi32, #tpu.memory_space<vmem>>)
      tpu.yield
    }) : () -> ()
    %broadcast_in_dim3A = arith.constant 0 : i32
    %broadcast_in_dim3A_47 = vector.broadcast %broadcast_in_dim3A : i32 to vector<16xi32>
    %broadcast_in_dim3A_48 = arith.constant 1 : i32
    %broadcast_in_dim3A_49 = vector.broadcast %broadcast_in_dim3A_48 : i32 to vector<16xi32>
    %broadcast_in_dim3A_50 = arith.constant 2 : i32
    %broadcast_in_dim3A_51 = vector.broadcast %broadcast_in_dim3A_50 : i32 to vector<16xi32>
    %broadcast_in_dim3A_52 = arith.constant 3 : i32
    %broadcast_in_dim3A_53 = vector.broadcast %broadcast_in_dim3A_52 : i32 to vector<16xi32>
    %broadcast_in_dim3A_54 = arith.constant 4 : i32
    %broadcast_in_dim3A_55 = vector.broadcast %broadcast_in_dim3A_54 : i32 to vector<16xi32>
    %broadcast_in_dim3A_56 = arith.constant 5 : i32
    %broadcast_in_dim3A_57 = vector.broadcast %broadcast_in_dim3A_56 : i32 to vector<16xi32>
    %broadcast_in_dim3A_58 = arith.constant 6 : i32
    %broadcast_in_dim3A_59 = vector.broadcast %broadcast_in_dim3A_58 : i32 to vector<16xi32>
    %broadcast_in_dim3A_60 = arith.constant 7 : i32
    %broadcast_in_dim3A_61 = vector.broadcast %broadcast_in_dim3A_60 : i32 to vector<16xi32>
    %sub3A_62 = arith.subi %select_n3A_46, %select_n3A : i32
    %sub3A_63 = arith.constant 1 : i32
    %sub3A_64 = arith.constant 1 : i32
    %sub3A_65 = arith.subi %sub3A_63, %sub3A_64 : i32
    %add3A_66 = arith.addi %sub3A_62, %sub3A_65 : i32
    %div3A_67 = arith.constant 1 : i32
    %div3A_68 = arith.divsi %add3A_66, %div3A_67 : i32
    %while3A = arith.constant 1 : i32
    %while3A_69 = arith.constant 0 : i32
    %while3A_70 = arith.subi %div3A_68, %while3A_69 : i32
    %while3A_71 = arith.addi %while3A_69, %while3A_70 : i32
    %while3A_72 = arith.constant 1 : i32
    %while3A_73 = arith.divsi %while3A_70, %while3A_72 : i32
    %while3A_74 = arith.muli %while3A_73, %while3A_72 : i32
    %while3A_75 = arith.addi %while3A_69, %while3A_74 : i32
    %while3A_76 = arith.constant 1 : i32
    scf.for %while3A_78 = %while3A_69 to %while3A_75 step %while3A_76  : i32 {
      %mul3A_79 = arith.muli %while3A_78, %while3A : i32
      %add3A_80 = arith.addi %select_n3A, %mul3A_79 : i32
      %mul3A_81 = arith.constant 8 : i32
      %mul3A_82 = arith.muli %add3A_80, %mul3A_81 : i32
      %multiple_of3A = tpu.assume_multiple %mul3A_82, 8 : i32
      "tpu.region"() ({
        %run_scoped3A = tpu.sem_alloc : memref<!tpu.dma_semaphore, #tpu.memory_space<semaphore_mem>>
        %dma_start3A = arith.constant 0 : i32
        %dma_start3A_98 = tpu.memref_slice %arg3[%multiple_of3A, %dma_start3A] : memref<1000x1024xf32, #tpu.memory_space<hbm>> -> memref<8x1024xf32, #tpu.memory_space<hbm>>
        %dma_start3A_99 = arith.constant 0 : i32
        %dma_start3A_100 = tpu.memref_slice %arg3[%multiple_of3A, %dma_start3A_99] : memref<1000x1024xf32, #tpu.memory_space<hbm>> -> memref<8x1024xf32, #tpu.memory_space<hbm>>
        tpu.enqueue_dma source(%dma_start3A_100 : memref<8x1024xf32, #tpu.memory_space<hbm>>) target(%arg6 : memref<8x1024xf32, #tpu.memory_space<vmem>>) target_semaphore(%run_scoped3A : memref<!tpu.dma_semaphore, #tpu.memory_space<semaphore_mem>>)
        %dma_wait3A_101 = arith.constant 0 : i32
        %dma_wait3A_102 = tpu.memref_slice %arg3[%multiple_of3A, %dma_wait3A_101] : memref<1000x1024xf32, #tpu.memory_space<hbm>> -> memref<8x1024xf32, #tpu.memory_space<hbm>>
        %dma_wait3A_103 = arith.constant 0 : i32
        %dma_wait3A_104 = tpu.memref_slice %arg3[%multiple_of3A, %dma_wait3A_103] : memref<1000x1024xf32, #tpu.memory_space<hbm>> -> memref<8x1024xf32, #tpu.memory_space<hbm>>
        tpu.wait_dma2 semaphore(%run_scoped3A : memref<!tpu.dma_semaphore, #tpu.memory_space<semaphore_mem>>) src(%dma_wait3A_104 : memref<8x1024xf32, #tpu.memory_space<hbm>>) dst(%arg6 : memref<8x1024xf32, #tpu.memory_space<vmem>>)
        tpu.yield
      }) : () -> ()
      %scan3A = arith.constant 0 : i32
      %scan3A_83 = arith.constant 25 : i32
      %scan3A_84 = arith.addi %scan3A, %scan3A_83 : i32
      %scan3A_85 = arith.constant 1 : i32
      scf.for %scan3A_98 = %scan3A to %scan3A_84 step %scan3A_85  : i32 {
        %mul3A_99 = arith.constant 2 : i32
        %mul3A_100 = arith.muli %scan3A_98, %mul3A_99 : i32
        %add3A_101 = arith.constant 0 : i32
        %add3A_102 = arith.addi %add3A_101, %mul3A_100 : i32
        %add3A_103 = arith.constant 0 : i32
        %add3A_104 = arith.addi %add3A_102, %add3A_103 : i32
        %ge3A = arith.constant 2 : i32
        %ge3A_105 = arith.cmpi sge, %add3A_104, %ge3A : i32
        %convert_element_type3A = arith.extui %ge3A_105 : i1 to i32
        %cond3A = arith.constant 0 : i32
        %cond3A_106 = arith.cmpi ne, %convert_element_type3A, %cond3A : i32
        scf.if %cond3A_106 {
          %dma_wait3A_126 = arith.constant 0 : i32
          %dma_wait3A_127 = tpu.memref_slice %arg4[%add3A_104, %multiple_of3A, %dma_wait3A_126] : memref<50x1000x1024xf32, #tpu.memory_space<hbm>> -> memref<1x8x1024xf32, #tpu.memory_space<hbm>>
          %dma_wait3A_128 = arith.constant 0 : i32
          %dma_wait3A_129 = tpu.memref_slice %arg4[%add3A_104, %multiple_of3A, %dma_wait3A_128] : memref<50x1000x1024xf32, #tpu.memory_space<hbm>> -> memref<1x8x1024xf32, #tpu.memory_space<hbm>>
          tpu.wait_dma2 semaphore(%arg9 : memref<!tpu.dma_semaphore, #tpu.memory_space<semaphore_mem>>) src(%arg7 : memref<1x8x1024xf32, #tpu.memory_space<vmem>>) dst(%dma_wait3A_129 : memref<1x8x1024xf32, #tpu.memory_space<hbm>>)
        } else {
        }
        %parallel_loop3A = arith.constant 0 : i32
        %parallel_loop3A_107 = arith.constant 1024 : i32
        %parallel_loop3A_108 = arith.constant 16 : i32
        scf.for %parallel_loop3A_126 = %parallel_loop3A to %parallel_loop3A_107 step %parallel_loop3A_108  : i32 {
          %parallel_loop3A_127 = arith.index_cast %add3A_104 : i32 to index
          %parallel_loop3A_128 = arith.index_cast %parallel_loop3A_126 : i32 to index
          %parallel_loop3A_129 = tpu.vector_load %arg5[%parallel_loop3A_127, %parallel_loop3A_128] {strides = array<i32>} : memref<56x1024xi32, #tpu.memory_space<vmem>>, vector<16xi32>,
          %parallel_loop3A_130 = tpu.vector_load_idx %arg6[%broadcast_in_dim3A_47, %parallel_loop3A_129] : memref<8x1024xf32, #tpu.memory_space<vmem>>[vector<16xi32>, vector<16xi32>], vector<16xf32>,
          %parallel_loop3A_131 = arith.constant 0 : i32
          %parallel_loop3A_132 = arith.constant 0 : i32
          %parallel_loop3A_133 = arith.index_cast %parallel_loop3A_131 : i32 to index
          %parallel_loop3A_134 = arith.index_cast %parallel_loop3A_132 : i32 to index
          %parallel_loop3A_135 = arith.index_cast %parallel_loop3A_126 : i32 to index
          %parallel_loop3A_136 = tpu.vector_load %arg7[%parallel_loop3A_133, %parallel_loop3A_134, %parallel_loop3A_135] {strides = array<i32>} : memref<1x8x1024xf32, #tpu.memory_space<vmem>>, vector<16xf32>,
          tpu.vector_store %arg7[%parallel_loop3A_133, %parallel_loop3A_134, %parallel_loop3A_135], %parallel_loop3A_130 {strides = array<i32>} : memref<1x8x1024xf32, #tpu.memory_space<vmem>>, vector<16xf32>,
          %parallel_loop3A_137 = tpu.vector_load_idx %arg6[%broadcast_in_dim3A_49, %parallel_loop3A_129] : memref<8x1024xf32, #tpu.memory_space<vmem>>[vector<16xi32>, vector<16xi32>], vector<16xf32>,
          %parallel_loop3A_138 = arith.constant 0 : i32
          %parallel_loop3A_139 = arith.constant 1 : i32
          %parallel_loop3A_140 = arith.index_cast %parallel_loop3A_138 : i32 to index
          %parallel_loop3A_141 = arith.index_cast %parallel_loop3A_139 : i32 to index
          %parallel_loop3A_142 = arith.index_cast %parallel_loop3A_126 : i32 to index
          %parallel_loop3A_143 = tpu.vector_load %arg7[%parallel_loop3A_140, %parallel_loop3A_141, %parallel_loop3A_142] {strides = array<i32>} : memref<1x8x1024xf32, #tpu.memory_space<vmem>>, vector<16xf32>,
          tpu.vector_store %arg7[%parallel_loop3A_140, %parallel_loop3A_141, %parallel_loop3A_142], %parallel_loop3A_137 {strides = array<i32>} : memref<1x8x1024xf32, #tpu.memory_space<vmem>>, vector<16xf32>,
          %parallel_loop3A_144 = tpu.vector_load_idx %arg6[%broadcast_in_dim3A_51, %parallel_loop3A_129] : memref<8x1024xf32, #tpu.memory_space<vmem>>[vector<16xi32>, vector<16xi32>], vector<16xf32>,
          %parallel_loop3A_145 = arith.constant 0 : i32
          %parallel_loop3A_146 = arith.constant 2 : i32
          %parallel_loop3A_147 = arith.index_cast %parallel_loop3A_145 : i32 to index
          %parallel_loop3A_148 = arith.index_cast %parallel_loop3A_146 : i32 to index
          %parallel_loop3A_149 = arith.index_cast %parallel_loop3A_126 : i32 to index
          %parallel_loop3A_150 = tpu.vector_load %arg7[%parallel_loop3A_147, %parallel_loop3A_148, %parallel_loop3A_149] {strides = array<i32>} : memref<1x8x1024xf32, #tpu.memory_space<vmem>>, vector<16xf32>,
          tpu.vector_store %arg7[%parallel_loop3A_147, %parallel_loop3A_148, %parallel_loop3A_149], %parallel_loop3A_144 {strides = array<i32>} : memref<1x8x1024xf32, #tpu.memory_space<vmem>>, vector<16xf32>,
          %parallel_loop3A_151 = tpu.vector_load_idx %arg6[%broadcast_in_dim3A_53, %parallel_loop3A_129] : memref<8x1024xf32, #tpu.memory_space<vmem>>[vector<16xi32>, vector<16xi32>], vector<16xf32>,
          %parallel_loop3A_152 = arith.constant 0 : i32
          %parallel_loop3A_153 = arith.constant 3 : i32
          %parallel_loop3A_154 = arith.index_cast %parallel_loop3A_152 : i32 to index
          %parallel_loop3A_155 = arith.index_cast %parallel_loop3A_153 : i32 to index
          %parallel_loop3A_156 = arith.index_cast %parallel_loop3A_126 : i32 to index
          %parallel_loop3A_157 = tpu.vector_load %arg7[%parallel_loop3A_154, %parallel_loop3A_155, %parallel_loop3A_156] {strides = array<i32>} : memref<1x8x1024xf32, #tpu.memory_space<vmem>>, vector<16xf32>,
          tpu.vector_store %arg7[%parallel_loop3A_154, %parallel_loop3A_155, %parallel_loop3A_156], %parallel_loop3A_151 {strides = array<i32>} : memref<1x8x1024xf32, #tpu.memory_space<vmem>>, vector<16xf32>,
          %parallel_loop3A_158 = tpu.vector_load_idx %arg6[%broadcast_in_dim3A_55, %parallel_loop3A_129] : memref<8x1024xf32, #tpu.memory_space<vmem>>[vector<16xi32>, vector<16xi32>], vector<16xf32>,
          %parallel_loop3A_159 = arith.constant 0 : i32
          %parallel_loop3A_160 = arith.constant 4 : i32
          %parallel_loop3A_161 = arith.index_cast %parallel_loop3A_159 : i32 to index
          %parallel_loop3A_162 = arith.index_cast %parallel_loop3A_160 : i32 to index
          %parallel_loop3A_163 = arith.index_cast %parallel_loop3A_126 : i32 to index
          %parallel_loop3A_164 = tpu.vector_load %arg7[%parallel_loop3A_161, %parallel_loop3A_162, %parallel_loop3A_163] {strides = array<i32>} : memref<1x8x1024xf32, #tpu.memory_space<vmem>>, vector<16xf32>,
          tpu.vector_store %arg7[%parallel_loop3A_161, %parallel_loop3A_162, %parallel_loop3A_163], %parallel_loop3A_158 {strides = array<i32>} : memref<1x8x1024xf32, #tpu.memory_space<vmem>>, vector<16xf32>,
          %parallel_loop3A_165 = tpu.vector_load_idx %arg6[%broadcast_in_dim3A_57, %parallel_loop3A_129] : memref<8x1024xf32, #tpu.memory_space<vmem>>[vector<16xi32>, vector<16xi32>], vector<16xf32>,
          %parallel_loop3A_166 = arith.constant 0 : i32
          %parallel_loop3A_167 = arith.constant 5 : i32
          %parallel_loop3A_168 = arith.index_cast %parallel_loop3A_166 : i32 to index
          %parallel_loop3A_169 = arith.index_cast %parallel_loop3A_167 : i32 to index
          %parallel_loop3A_170 = arith.index_cast %parallel_loop3A_126 : i32 to index
          %parallel_loop3A_171 = tpu.vector_load %arg7[%parallel_loop3A_168, %parallel_loop3A_169, %parallel_loop3A_170] {strides = array<i32>} : memref<1x8x1024xf32, #tpu.memory_space<vmem>>, vector<16xf32>,
          tpu.vector_store %arg7[%parallel_loop3A_168, %parallel_loop3A_169, %parallel_loop3A_170], %parallel_loop3A_165 {strides = array<i32>} : memref<1x8x1024xf32, #tpu.memory_space<vmem>>, vector<16xf32>,
          %parallel_loop3A_172 = tpu.vector_load_idx %arg6[%broadcast_in_dim3A_59, %parallel_loop3A_129] : memref<8x1024xf32, #tpu.memory_space<vmem>>[vector<16xi32>, vector<16xi32>], vector<16xf32>,
          %parallel_loop3A_173 = arith.constant 0 : i32
          %parallel_loop3A_174 = arith.constant 6 : i32
          %parallel_loop3A_175 = arith.index_cast %parallel_loop3A_173 : i32 to index
          %parallel_loop3A_176 = arith.index_cast %parallel_loop3A_174 : i32 to index
          %parallel_loop3A_177 = arith.index_cast %parallel_loop3A_126 : i32 to index
          %parallel_loop3A_178 = tpu.vector_load %arg7[%parallel_loop3A_175, %parallel_loop3A_176, %parallel_loop3A_177] {strides = array<i32>} : memref<1x8x1024xf32, #tpu.memory_space<vmem>>, vector<16xf32>,
          tpu.vector_store %arg7[%parallel_loop3A_175, %parallel_loop3A_176, %parallel_loop3A_177], %parallel_loop3A_172 {strides = array<i32>} : memref<1x8x1024xf32, #tpu.memory_space<vmem>>, vector<16xf32>,
          %parallel_loop3A_179 = tpu.vector_load_idx %arg6[%broadcast_in_dim3A_61, %parallel_loop3A_129] : memref<8x1024xf32, #tpu.memory_space<vmem>>[vector<16xi32>, vector<16xi32>], vector<16xf32>,
          %parallel_loop3A_180 = arith.constant 0 : i32
          %parallel_loop3A_181 = arith.constant 7 : i32
          %parallel_loop3A_182 = arith.index_cast %parallel_loop3A_180 : i32 to index
          %parallel_loop3A_183 = arith.index_cast %parallel_loop3A_181 : i32 to index
          %parallel_loop3A_184 = arith.index_cast %parallel_loop3A_126 : i32 to index
          %parallel_loop3A_185 = tpu.vector_load %arg7[%parallel_loop3A_182, %parallel_loop3A_183, %parallel_loop3A_184] {strides = array<i32>} : memref<1x8x1024xf32, #tpu.memory_space<vmem>>, vector<16xf32>,
          tpu.vector_store %arg7[%parallel_loop3A_182, %parallel_loop3A_183, %parallel_loop3A_184], %parallel_loop3A_179 {strides = array<i32>} : memref<1x8x1024xf32, #tpu.memory_space<vmem>>, vector<16xf32>,
        } {sc.loop_unroll_factor = 8 : i64, sc.parallel_access}
        %dma_start3A = arith.constant 0 : i32
        %dma_start3A_109 = tpu.memref_slice %arg4[%add3A_104, %multiple_of3A, %dma_start3A] : memref<50x1000x1024xf32, #tpu.memory_space<hbm>> -> memref<1x8x1024xf32, #tpu.memory_space<hbm>>
        %dma_start3A_110 = arith.constant 0 : i32
        %dma_start3A_111 = tpu.memref_slice %arg4[%add3A_104, %multiple_of3A, %dma_start3A_110] : memref<50x1000x1024xf32, #tpu.memory_space<hbm>> -> memref<1x8x1024xf32, #tpu.memory_space<hbm>>
        tpu.enqueue_dma source(%arg7 : memref<1x8x1024xf32, #tpu.memory_space<vmem>>) target(%dma_start3A_111 : memref<1x8x1024xf32, #tpu.memory_space<hbm>>) target_semaphore(%arg9 : memref<!tpu.dma_semaphore, #tpu.memory_space<semaphore_mem>>)
        %add3A_112 = arith.constant 1 : i32
        %add3A_113 = arith.addi %add3A_102, %add3A_112 : i32
        %ge3A_114 = arith.constant 2 : i32
        %ge3A_115 = arith.cmpi sge, %add3A_113, %ge3A_114 : i32
        %convert_element_type3A_116 = arith.extui %ge3A_115 : i1 to i32
        %cond3A_117 = arith.constant 0 : i32
        %cond3A_118 = arith.cmpi ne, %convert_element_type3A_116, %cond3A_117 : i32
        scf.if %cond3A_118 {
          %dma_wait3A_126 = arith.constant 0 : i32
          %dma_wait3A_127 = tpu.memref_slice %arg4[%add3A_113, %multiple_of3A, %dma_wait3A_126] : memref<50x1000x1024xf32, #tpu.memory_space<hbm>> -> memref<1x8x1024xf32, #tpu.memory_space<hbm>>
          %dma_wait3A_128 = arith.constant 0 : i32
          %dma_wait3A_129 = tpu.memref_slice %arg4[%add3A_113, %multiple_of3A, %dma_wait3A_128] : memref<50x1000x1024xf32, #tpu.memory_space<hbm>> -> memref<1x8x1024xf32, #tpu.memory_space<hbm>>
          tpu.wait_dma2 semaphore(%arg10 : memref<!tpu.dma_semaphore, #tpu.memory_space<semaphore_mem>>) src(%arg8 : memref<1x8x1024xf32, #tpu.memory_space<vmem>>) dst(%dma_wait3A_129 : memref<1x8x1024xf32, #tpu.memory_space<hbm>>)
        } else {
        }
        %parallel_loop3A_119 = arith.constant 0 : i32
        %parallel_loop3A_120 = arith.constant 1024 : i32
        %parallel_loop3A_121 = arith.constant 16 : i32
        scf.for %parallel_loop3A_126 = %parallel_loop3A_119 to %parallel_loop3A_120 step %parallel_loop3A_121  : i32 {
          %parallel_loop3A_127 = arith.index_cast %add3A_113 : i32 to index
          %parallel_loop3A_128 = arith.index_cast %parallel_loop3A_126 : i32 to index
          %parallel_loop3A_129 = tpu.vector_load %arg5[%parallel_loop3A_127, %parallel_loop3A_128] {strides = array<i32>} : memref<56x1024xi32, #tpu.memory_space<vmem>>, vector<16xi32>,
          %parallel_loop3A_130 = tpu.vector_load_idx %arg6[%broadcast_in_dim3A_47, %parallel_loop3A_129] : memref<8x1024xf32, #tpu.memory_space<vmem>>[vector<16xi32>, vector<16xi32>], vector<16xf32>,
          %parallel_loop3A_131 = arith.constant 0 : i32
          %parallel_loop3A_132 = arith.constant 0 : i32
          %parallel_loop3A_133 = arith.index_cast %parallel_loop3A_131 : i32 to index
          %parallel_loop3A_134 = arith.index_cast %parallel_loop3A_132 : i32 to index
          %parallel_loop3A_135 = arith.index_cast %parallel_loop3A_126 : i32 to index
          %parallel_loop3A_136 = tpu.vector_load %arg8[%parallel_loop3A_133, %parallel_loop3A_134, %parallel_loop3A_135] {strides = array<i32>} : memref<1x8x1024xf32, #tpu.memory_space<vmem>>, vector<16xf32>,
          tpu.vector_store %arg8[%parallel_loop3A_133, %parallel_loop3A_134, %parallel_loop3A_135], %parallel_loop3A_130 {strides = array<i32>} : memref<1x8x1024xf32, #tpu.memory_space<vmem>>, vector<16xf32>,
          %parallel_loop3A_137 = tpu.vector_load_idx %arg6[%broadcast_in_dim3A_49, %parallel_loop3A_129] : memref<8x1024xf32, #tpu.memory_space<vmem>>[vector<16xi32>, vector<16xi32>], vector<16xf32>,
          %parallel_loop3A_138 = arith.constant 0 : i32
          %parallel_loop3A_139 = arith.constant 1 : i32
          %parallel_loop3A_140 = arith.index_cast %parallel_loop3A_138 : i32 to index
          %parallel_loop3A_141 = arith.index_cast %parallel_loop3A_139 : i32 to index
          %parallel_loop3A_142 = arith.index_cast %parallel_loop3A_126 : i32 to index
          %parallel_loop3A_143 = tpu.vector_load %arg8[%parallel_loop3A_140, %parallel_loop3A_141, %parallel_loop3A_142] {strides = array<i32>} : memref<1x8x1024xf32, #tpu.memory_space<vmem>>, vector<16xf32>,
          tpu.vector_store %arg8[%parallel_loop3A_140, %parallel_loop3A_141, %parallel_loop3A_142], %parallel_loop3A_137 {strides = array<i32>} : memref<1x8x1024xf32, #tpu.memory_space<vmem>>, vector<16xf32>,
          %parallel_loop3A_144 = tpu.vector_load_idx %arg6[%broadcast_in_dim3A_51, %parallel_loop3A_129] : memref<8x1024xf32, #tpu.memory_space<vmem>>[vector<16xi32>, vector<16xi32>], vector<16xf32>,
          %parallel_loop3A_145 = arith.constant 0 : i32
          %parallel_loop3A_146 = arith.constant 2 : i32
          %parallel_loop3A_147 = arith.index_cast %parallel_loop3A_145 : i32 to index
          %parallel_loop3A_148 = arith.index_cast %parallel_loop3A_146 : i32 to index
          %parallel_loop3A_149 = arith.index_cast %parallel_loop3A_126 : i32 to index
          %parallel_loop3A_150 = tpu.vector_load %arg8[%parallel_loop3A_147, %parallel_loop3A_148, %parallel_loop3A_149] {strides = array<i32>} : memref<1x8x1024xf32, #tpu.memory_space<vmem>>, vector<16xf32>,
          tpu.vector_store %arg8[%parallel_loop3A_147, %parallel_loop3A_148, %parallel_loop3A_149], %parallel_loop3A_144 {strides = array<i32>} : memref<1x8x1024xf32, #tpu.memory_space<vmem>>, vector<16xf32>,
          %parallel_loop3A_151 = tpu.vector_load_idx %arg6[%broadcast_in_dim3A_53, %parallel_loop3A_129] : memref<8x1024xf32, #tpu.memory_space<vmem>>[vector<16xi32>, vector<16xi32>], vector<16xf32>,
          %parallel_loop3A_152 = arith.constant 0 : i32
          %parallel_loop3A_153 = arith.constant 3 : i32
          %parallel_loop3A_154 = arith.index_cast %parallel_loop3A_152 : i32 to index
          %parallel_loop3A_155 = arith.index_cast %parallel_loop3A_153 : i32 to index
          %parallel_loop3A_156 = arith.index_cast %parallel_loop3A_126 : i32 to index
          %parallel_loop3A_157 = tpu.vector_load %arg8[%parallel_loop3A_154, %parallel_loop3A_155, %parallel_loop3A_156] {strides = array<i32>} : memref<1x8x1024xf32, #tpu.memory_space<vmem>>, vector<16xf32>,
          tpu.vector_store %arg8[%parallel_loop3A_154, %parallel_loop3A_155, %parallel_loop3A_156], %parallel_loop3A_151 {strides = array<i32>} : memref<1x8x1024xf32, #tpu.memory_space<vmem>>, vector<16xf32>,
          %parallel_loop3A_158 = tpu.vector_load_idx %arg6[%broadcast_in_dim3A_55, %parallel_loop3A_129] : memref<8x1024xf32, #tpu.memory_space<vmem>>[vector<16xi32>, vector<16xi32>], vector<16xf32>,
          %parallel_loop3A_159 = arith.constant 0 : i32
          %parallel_loop3A_160 = arith.constant 4 : i32
          %parallel_loop3A_161 = arith.index_cast %parallel_loop3A_159 : i32 to index
          %parallel_loop3A_162 = arith.index_cast %parallel_loop3A_160 : i32 to index
          %parallel_loop3A_163 = arith.index_cast %parallel_loop3A_126 : i32 to index
          %parallel_loop3A_164 = tpu.vector_load %arg8[%parallel_loop3A_161, %parallel_loop3A_162, %parallel_loop3A_163] {strides = array<i32>} : memref<1x8x1024xf32, #tpu.memory_space<vmem>>, vector<16xf32>,
          tpu.vector_store %arg8[%parallel_loop3A_161, %parallel_loop3A_162, %parallel_loop3A_163], %parallel_loop3A_158 {strides = array<i32>} : memref<1x8x1024xf32, #tpu.memory_space<vmem>>, vector<16xf32>,
          %parallel_loop3A_165 = tpu.vector_load_idx %arg6[%broadcast_in_dim3A_57, %parallel_loop3A_129] : memref<8x1024xf32, #tpu.memory_space<vmem>>[vector<16xi32>, vector<16xi32>], vector<16xf32>,
          %parallel_loop3A_166 = arith.constant 0 : i32
          %parallel_loop3A_167 = arith.constant 5 : i32
          %parallel_loop3A_168 = arith.index_cast %parallel_loop3A_166 : i32 to index
          %parallel_loop3A_169 = arith.index_cast %parallel_loop3A_167 : i32 to index
          %parallel_loop3A_170 = arith.index_cast %parallel_loop3A_126 : i32 to index
          %parallel_loop3A_171 = tpu.vector_load %arg8[%parallel_loop3A_168, %parallel_loop3A_169, %parallel_loop3A_170] {strides = array<i32>} : memref<1x8x1024xf32, #tpu.memory_space<vmem>>, vector<16xf32>,
          tpu.vector_store %arg8[%parallel_loop3A_168, %parallel_loop3A_169, %parallel_loop3A_170], %parallel_loop3A_165 {strides = array<i32>} : memref<1x8x1024xf32, #tpu.memory_space<vmem>>, vector<16xf32>,
          %parallel_loop3A_172 = tpu.vector_load_idx %arg6[%broadcast_in_dim3A_59, %parallel_loop3A_129] : memref<8x1024xf32, #tpu.memory_space<vmem>>[vector<16xi32>, vector<16xi32>], vector<16xf32>,
          %parallel_loop3A_173 = arith.constant 0 : i32
          %parallel_loop3A_174 = arith.constant 6 : i32
          %parallel_loop3A_175 = arith.index_cast %parallel_loop3A_173 : i32 to index
          %parallel_loop3A_176 = arith.index_cast %parallel_loop3A_174 : i32 to index
          %parallel_loop3A_177 = arith.index_cast %parallel_loop3A_126 : i32 to index
          %parallel_loop3A_178 = tpu.vector_load %arg8[%parallel_loop3A_175, %parallel_loop3A_176, %parallel_loop3A_177] {strides = array<i32>} : memref<1x8x1024xf32, #tpu.memory_space<vmem>>, vector<16xf32>,
          tpu.vector_store %arg8[%parallel_loop3A_175, %parallel_loop3A_176, %parallel_loop3A_177], %parallel_loop3A_172 {strides = array<i32>} : memref<1x8x1024xf32, #tpu.memory_space<vmem>>, vector<16xf32>,
          %parallel_loop3A_179 = tpu.vector_load_idx %arg6[%broadcast_in_dim3A_61, %parallel_loop3A_129] : memref<8x1024xf32, #tpu.memory_space<vmem>>[vector<16xi32>, vector<16xi32>], vector<16xf32>,
          %parallel_loop3A_180 = arith.constant 0 : i32
          %parallel_loop3A_181 = arith.constant 7 : i32
          %parallel_loop3A_182 = arith.index_cast %parallel_loop3A_180 : i32 to index
          %parallel_loop3A_183 = arith.index_cast %parallel_loop3A_181 : i32 to index
          %parallel_loop3A_184 = arith.index_cast %parallel_loop3A_126 : i32 to index
          %parallel_loop3A_185 = tpu.vector_load %arg8[%parallel_loop3A_182, %parallel_loop3A_183, %parallel_loop3A_184] {strides = array<i32>} : memref<1x8x1024xf32, #tpu.memory_space<vmem>>, vector<16xf32>,
          tpu.vector_store %arg8[%parallel_loop3A_182, %parallel_loop3A_183, %parallel_loop3A_184], %parallel_loop3A_179 {strides = array<i32>} : memref<1x8x1024xf32, #tpu.memory_space<vmem>>, vector<16xf32>,
        } {sc.loop_unroll_factor = 8 : i64, sc.parallel_access}
        %dma_start3A_122 = arith.constant 0 : i32
        %dma_start3A_123 = tpu.memref_slice %arg4[%add3A_113, %multiple_of3A, %dma_start3A_122] : memref<50x1000x1024xf32, #tpu.memory_space<hbm>> -> memref<1x8x1024xf32, #tpu.memory_space<hbm>>
        %dma_start3A_124 = arith.constant 0 : i32
        %dma_start3A_125 = tpu.memref_slice %arg4[%add3A_113, %multiple_of3A, %dma_start3A_124] : memref<50x1000x1024xf32, #tpu.memory_space<hbm>> -> memref<1x8x1024xf32, #tpu.memory_space<hbm>>
        tpu.enqueue_dma source(%arg8 : memref<1x8x1024xf32, #tpu.memory_space<vmem>>) target(%dma_start3A_125 : memref<1x8x1024xf32, #tpu.memory_space<hbm>>) target_semaphore(%arg10 : memref<!tpu.dma_semaphore, #tpu.memory_space<semaphore_mem>>)
      }
      %scan3A_86 = arith.constant 25 : i32
      %dma_wait3A = arith.constant 48 : i32
      %dma_wait3A_87 = arith.constant 0 : i32
      %dma_wait3A_88 = tpu.memref_slice %arg4[%dma_wait3A, %multiple_of3A, %dma_wait3A_87] : memref<50x1000x1024xf32, #tpu.memory_space<hbm>> -> memref<1x8x1024xf32, #tpu.memory_space<hbm>>
      %dma_wait3A_89 = arith.constant 48 : i32
      %dma_wait3A_90 = arith.constant 0 : i32
      %dma_wait3A_91 = tpu.memref_slice %arg4[%dma_wait3A_89, %multiple_of3A, %dma_wait3A_90] : memref<50x1000x1024xf32, #tpu.memory_space<hbm>> -> memref<1x8x1024xf32, #tpu.memory_space<hbm>>
      tpu.wait_dma2 semaphore(%arg9 : memref<!tpu.dma_semaphore, #tpu.memory_space<semaphore_mem>>) src(%arg7 : memref<1x8x1024xf32, #tpu.memory_space<vmem>>) dst(%dma_wait3A_91 : memref<1x8x1024xf32, #tpu.memory_space<hbm>>)
      %dma_wait3A_92 = arith.constant 49 : i32
      %dma_wait3A_93 = arith.constant 0 : i32
      %dma_wait3A_94 = tpu.memref_slice %arg4[%dma_wait3A_92, %multiple_of3A, %dma_wait3A_93] : memref<50x1000x1024xf32, #tpu.memory_space<hbm>> -> memref<1x8x1024xf32, #tpu.memory_space<hbm>>
      %dma_wait3A_95 = arith.constant 49 : i32
      %dma_wait3A_96 = arith.constant 0 : i32
      %dma_wait3A_97 = tpu.memref_slice %arg4[%dma_wait3A_95, %multiple_of3A, %dma_wait3A_96] : memref<50x1000x1024xf32, #tpu.memory_space<hbm>> -> memref<1x8x1024xf32, #tpu.memory_space<hbm>>
      tpu.wait_dma2 semaphore(%arg10 : memref<!tpu.dma_semaphore, #tpu.memory_space<semaphore_mem>>) src(%arg8 : memref<1x8x1024xf32, #tpu.memory_space<vmem>>) dst(%dma_wait3A_97 : memref<1x8x1024xf32, #tpu.memory_space<hbm>>)
    }
    %while3A_77 = arith.constant 1 : i32
    scf.for %while3A_78 = %while3A_75 to %while3A_71 step %while3A_77  : i32 {
      %mul3A_79 = arith.muli %while3A_78, %while3A : i32
      %add3A_80 = arith.addi %select_n3A, %mul3A_79 : i32
      %mul3A_81 = arith.constant 8 : i32
      %mul3A_82 = arith.muli %add3A_80, %mul3A_81 : i32
      %multiple_of3A = tpu.assume_multiple %mul3A_82, 8 : i32
      "tpu.region"() ({
        %run_scoped3A = tpu.sem_alloc : memref<!tpu.dma_semaphore, #tpu.memory_space<semaphore_mem>>
        %dma_start3A = arith.constant 0 : i32
        %dma_start3A_98 = tpu.memref_slice %arg3[%multiple_of3A, %dma_start3A] : memref<1000x1024xf32, #tpu.memory_space<hbm>> -> memref<8x1024xf32, #tpu.memory_space<hbm>>
        %dma_start3A_99 = arith.constant 0 : i32
        %dma_start3A_100 = tpu.memref_slice %arg3[%multiple_of3A, %dma_start3A_99] : memref<1000x1024xf32, #tpu.memory_space<hbm>> -> memref<8x1024xf32, #tpu.memory_space<hbm>>
        tpu.enqueue_dma source(%dma_start3A_100 : memref<8x1024xf32, #tpu.memory_space<hbm>>) target(%arg6 : memref<8x1024xf32, #tpu.memory_space<vmem>>) target_semaphore(%run_scoped3A : memref<!tpu.dma_semaphore, #tpu.memory_space<semaphore_mem>>)
        %dma_wait3A_101 = arith.constant 0 : i32
        %dma_wait3A_102 = tpu.memref_slice %arg3[%multiple_of3A, %dma_wait3A_101] : memref<1000x1024xf32, #tpu.memory_space<hbm>> -> memref<8x1024xf32, #tpu.memory_space<hbm>>
        %dma_wait3A_103 = arith.constant 0 : i32
        %dma_wait3A_104 = tpu.memref_slice %arg3[%multiple_of3A, %dma_wait3A_103] : memref<1000x1024xf32, #tpu.memory_space<hbm>> -> memref<8x1024xf32, #tpu.memory_space<hbm>>
        tpu.wait_dma2 semaphore(%run_scoped3A : memref<!tpu.dma_semaphore, #tpu.memory_space<semaphore_mem>>) src(%dma_wait3A_104 : memref<8x1024xf32, #tpu.memory_space<hbm>>) dst(%arg6 : memref<8x1024xf32, #tpu.memory_space<vmem>>)
        tpu.yield
      }) : () -> ()
      %scan3A = arith.constant 0 : i32
      %scan3A_83 = arith.constant 25 : i32
      %scan3A_84 = arith.addi %scan3A, %scan3A_83 : i32
      %scan3A_85 = arith.constant 1 : i32
      scf.for %scan3A_98 = %scan3A to %scan3A_84 step %scan3A_85  : i32 {
        %mul3A_99 = arith.constant 2 : i32
        %mul3A_100 = arith.muli %scan3A_98, %mul3A_99 : i32
        %add3A_101 = arith.constant 0 : i32
        %add3A_102 = arith.addi %add3A_101, %mul3A_100 : i32
        %add3A_103 = arith.constant 0 : i32
        %add3A_104 = arith.addi %add3A_102, %add3A_103 : i32
        %ge3A = arith.constant 2 : i32
        %ge3A_105 = arith.cmpi sge, %add3A_104, %ge3A : i32
        %convert_element_type3A = arith.extui %ge3A_105 : i1 to i32
        %cond3A = arith.constant 0 : i32
        %cond3A_106 = arith.cmpi ne, %convert_element_type3A, %cond3A : i32
        scf.if %cond3A_106 {
          %dma_wait3A_126 = arith.constant 0 : i32
          %dma_wait3A_127 = tpu.memref_slice %arg4[%add3A_104, %multiple_of3A, %dma_wait3A_126] : memref<50x1000x1024xf32, #tpu.memory_space<hbm>> -> memref<1x8x1024xf32, #tpu.memory_space<hbm>>
          %dma_wait3A_128 = arith.constant 0 : i32
          %dma_wait3A_129 = tpu.memref_slice %arg4[%add3A_104, %multiple_of3A, %dma_wait3A_128] : memref<50x1000x1024xf32, #tpu.memory_space<hbm>> -> memref<1x8x1024xf32, #tpu.memory_space<hbm>>
          tpu.wait_dma2 semaphore(%arg9 : memref<!tpu.dma_semaphore, #tpu.memory_space<semaphore_mem>>) src(%arg7 : memref<1x8x1024xf32, #tpu.memory_space<vmem>>) dst(%dma_wait3A_129 : memref<1x8x1024xf32, #tpu.memory_space<hbm>>)
        } else {
        }
        %parallel_loop3A = arith.constant 0 : i32
        %parallel_loop3A_107 = arith.constant 1024 : i32
        %parallel_loop3A_108 = arith.constant 16 : i32
        scf.for %parallel_loop3A_126 = %parallel_loop3A to %parallel_loop3A_107 step %parallel_loop3A_108  : i32 {
          %parallel_loop3A_127 = arith.index_cast %add3A_104 : i32 to index
          %parallel_loop3A_128 = arith.index_cast %parallel_loop3A_126 : i32 to index
          %parallel_loop3A_129 = tpu.vector_load %arg5[%parallel_loop3A_127, %parallel_loop3A_128] {strides = array<i32>} : memref<56x1024xi32, #tpu.memory_space<vmem>>, vector<16xi32>,
          %parallel_loop3A_130 = tpu.vector_load_idx %arg6[%broadcast_in_dim3A_47, %parallel_loop3A_129] : memref<8x1024xf32, #tpu.memory_space<vmem>>[vector<16xi32>, vector<16xi32>], vector<16xf32>,
          %parallel_loop3A_131 = arith.constant 0 : i32
          %parallel_loop3A_132 = arith.constant 0 : i32
          %parallel_loop3A_133 = arith.index_cast %parallel_loop3A_131 : i32 to index
          %parallel_loop3A_134 = arith.index_cast %parallel_loop3A_132 : i32 to index
          %parallel_loop3A_135 = arith.index_cast %parallel_loop3A_126 : i32 to index
          %parallel_loop3A_136 = tpu.vector_load %arg7[%parallel_loop3A_133, %parallel_loop3A_134, %parallel_loop3A_135] {strides = array<i32>} : memref<1x8x1024xf32, #tpu.memory_space<vmem>>, vector<16xf32>,
          tpu.vector_store %arg7[%parallel_loop3A_133, %parallel_loop3A_134, %parallel_loop3A_135], %parallel_loop3A_130 {strides = array<i32>} : memref<1x8x1024xf32, #tpu.memory_space<vmem>>, vector<16xf32>,
          %parallel_loop3A_137 = tpu.vector_load_idx %arg6[%broadcast_in_dim3A_49, %parallel_loop3A_129] : memref<8x1024xf32, #tpu.memory_space<vmem>>[vector<16xi32>, vector<16xi32>], vector<16xf32>,
          %parallel_loop3A_138 = arith.constant 0 : i32
          %parallel_loop3A_139 = arith.constant 1 : i32
          %parallel_loop3A_140 = arith.index_cast %parallel_loop3A_138 : i32 to index
          %parallel_loop3A_141 = arith.index_cast %parallel_loop3A_139 : i32 to index
          %parallel_loop3A_142 = arith.index_cast %parallel_loop3A_126 : i32 to index
          %parallel_loop3A_143 = tpu.vector_load %arg7[%parallel_loop3A_140, %parallel_loop3A_141, %parallel_loop3A_142] {strides = array<i32>} : memref<1x8x1024xf32, #tpu.memory_space<vmem>>, vector<16xf32>,
          tpu.vector_store %arg7[%parallel_loop3A_140, %parallel_loop3A_141, %parallel_loop3A_142], %parallel_loop3A_137 {strides = array<i32>} : memref<1x8x1024xf32, #tpu.memory_space<vmem>>, vector<16xf32>,
          %parallel_loop3A_144 = tpu.vector_load_idx %arg6[%broadcast_in_dim3A_51, %parallel_loop3A_129] : memref<8x1024xf32, #tpu.memory_space<vmem>>[vector<16xi32>, vector<16xi32>], vector<16xf32>,
          %parallel_loop3A_145 = arith.constant 0 : i32
          %parallel_loop3A_146 = arith.constant 2 : i32
          %parallel_loop3A_147 = arith.index_cast %parallel_loop3A_145 : i32 to index
          %parallel_loop3A_148 = arith.index_cast %parallel_loop3A_146 : i32 to index
          %parallel_loop3A_149 = arith.index_cast %parallel_loop3A_126 : i32 to index
          %parallel_loop3A_150 = tpu.vector_load %arg7[%parallel_loop3A_147, %parallel_loop3A_148, %parallel_loop3A_149] {strides = array<i32>} : memref<1x8x1024xf32, #tpu.memory_space<vmem>>, vector<16xf32>,
          tpu.vector_store %arg7[%parallel_loop3A_147, %parallel_loop3A_148, %parallel_loop3A_149], %parallel_loop3A_144 {strides = array<i32>} : memref<1x8x1024xf32, #tpu.memory_space<vmem>>, vector<16xf32>,
          %parallel_loop3A_151 = tpu.vector_load_idx %arg6[%broadcast_in_dim3A_53, %parallel_loop3A_129] : memref<8x1024xf32, #tpu.memory_space<vmem>>[vector<16xi32>, vector<16xi32>], vector<16xf32>,
          %parallel_loop3A_152 = arith.constant 0 : i32
          %parallel_loop3A_153 = arith.constant 3 : i32
          %parallel_loop3A_154 = arith.index_cast %parallel_loop3A_152 : i32 to index
          %parallel_loop3A_155 = arith.index_cast %parallel_loop3A_153 : i32 to index
          %parallel_loop3A_156 = arith.index_cast %parallel_loop3A_126 : i32 to index
          %parallel_loop3A_157 = tpu.vector_load %arg7[%parallel_loop3A_154, %parallel_loop3A_155, %parallel_loop3A_156] {strides = array<i32>} : memref<1x8x1024xf32, #tpu.memory_space<vmem>>, vector<16xf32>,
          tpu.vector_store %arg7[%parallel_loop3A_154, %parallel_loop3A_155, %parallel_loop3A_156], %parallel_loop3A_151 {strides = array<i32>} : memref<1x8x1024xf32, #tpu.memory_space<vmem>>, vector<16xf32>,
          %parallel_loop3A_158 = tpu.vector_load_idx %arg6[%broadcast_in_dim3A_55, %parallel_loop3A_129] : memref<8x1024xf32, #tpu.memory_space<vmem>>[vector<16xi32>, vector<16xi32>], vector<16xf32>,
          %parallel_loop3A_159 = arith.constant 0 : i32
          %parallel_loop3A_160 = arith.constant 4 : i32
          %parallel_loop3A_161 = arith.index_cast %parallel_loop3A_159 : i32 to index
          %parallel_loop3A_162 = arith.index_cast %parallel_loop3A_160 : i32 to index
          %parallel_loop3A_163 = arith.index_cast %parallel_loop3A_126 : i32 to index
          %parallel_loop3A_164 = tpu.vector_load %arg7[%parallel_loop3A_161, %parallel_loop3A_162, %parallel_loop3A_163] {strides = array<i32>} : memref<1x8x1024xf32, #tpu.memory_space<vmem>>, vector<16xf32>,
          tpu.vector_store %arg7[%parallel_loop3A_161, %parallel_loop3A_162, %parallel_loop3A_163], %parallel_loop3A_158 {strides = array<i32>} : memref<1x8x1024xf32, #tpu.memory_space<vmem>>, vector<16xf32>,
          %parallel_loop3A_165 = tpu.vector_load_idx %arg6[%broadcast_in_dim3A_57, %parallel_loop3A_129] : memref<8x1024xf32, #tpu.memory_space<vmem>>[vector<16xi32>, vector<16xi32>], vector<16xf32>,
          %parallel_loop3A_166 = arith.constant 0 : i32
          %parallel_loop3A_167 = arith.constant 5 : i32
          %parallel_loop3A_168 = arith.index_cast %parallel_loop3A_166 : i32 to index
          %parallel_loop3A_169 = arith.index_cast %parallel_loop3A_167 : i32 to index
          %parallel_loop3A_170 = arith.index_cast %parallel_loop3A_126 : i32 to index
          %parallel_loop3A_171 = tpu.vector_load %arg7[%parallel_loop3A_168, %parallel_loop3A_169, %parallel_loop3A_170] {strides = array<i32>} : memref<1x8x1024xf32, #tpu.memory_space<vmem>>, vector<16xf32>,
          tpu.vector_store %arg7[%parallel_loop3A_168, %parallel_loop3A_169, %parallel_loop3A_170], %parallel_loop3A_165 {strides = array<i32>} : memref<1x8x1024xf32, #tpu.memory_space<vmem>>, vector<16xf32>,
          %parallel_loop3A_172 = tpu.vector_load_idx %arg6[%broadcast_in_dim3A_59, %parallel_loop3A_129] : memref<8x1024xf32, #tpu.memory_space<vmem>>[vector<16xi32>, vector<16xi32>], vector<16xf32>,
          %parallel_loop3A_173 = arith.constant 0 : i32
          %parallel_loop3A_174 = arith.constant 6 : i32
          %parallel_loop3A_175 = arith.index_cast %parallel_loop3A_173 : i32 to index
          %parallel_loop3A_176 = arith.index_cast %parallel_loop3A_174 : i32 to index
          %parallel_loop3A_177 = arith.index_cast %parallel_loop3A_126 : i32 to index
          %parallel_loop3A_178 = tpu.vector_load %arg7[%parallel_loop3A_175, %parallel_loop3A_176, %parallel_loop3A_177] {strides = array<i32>} : memref<1x8x1024xf32, #tpu.memory_space<vmem>>, vector<16xf32>,
          tpu.vector_store %arg7[%parallel_loop3A_175, %parallel_loop3A_176, %parallel_loop3A_177], %parallel_loop3A_172 {strides = array<i32>} : memref<1x8x1024xf32, #tpu.memory_space<vmem>>, vector<16xf32>,
          %parallel_loop3A_179 = tpu.vector_load_idx %arg6[%broadcast_in_dim3A_61, %parallel_loop3A_129] : memref<8x1024xf32, #tpu.memory_space<vmem>>[vector<16xi32>, vector<16xi32>], vector<16xf32>,
          %parallel_loop3A_180 = arith.constant 0 : i32
          %parallel_loop3A_181 = arith.constant 7 : i32
          %parallel_loop3A_182 = arith.index_cast %parallel_loop3A_180 : i32 to index
          %parallel_loop3A_183 = arith.index_cast %parallel_loop3A_181 : i32 to index
          %parallel_loop3A_184 = arith.index_cast %parallel_loop3A_126 : i32 to index
          %parallel_loop3A_185 = tpu.vector_load %arg7[%parallel_loop3A_182, %parallel_loop3A_183, %parallel_loop3A_184] {strides = array<i32>} : memref<1x8x1024xf32, #tpu.memory_space<vmem>>, vector<16xf32>,
          tpu.vector_store %arg7[%parallel_loop3A_182, %parallel_loop3A_183, %parallel_loop3A_184], %parallel_loop3A_179 {strides = array<i32>} : memref<1x8x1024xf32, #tpu.memory_space<vmem>>, vector<16xf32>,
        } {sc.loop_unroll_factor = 8 : i64, sc.parallel_access}
        %dma_start3A = arith.constant 0 : i32
        %dma_start3A_109 = tpu.memref_slice %arg4[%add3A_104, %multiple_of3A, %dma_start3A] : memref<50x1000x1024xf32, #tpu.memory_space<hbm>> -> memref<1x8x1024xf32, #tpu.memory_space<hbm>>
        %dma_start3A_110 = arith.constant 0 : i32
        %dma_start3A_111 = tpu.memref_slice %arg4[%add3A_104, %multiple_of3A, %dma_start3A_110] : memref<50x1000x1024xf32, #tpu.memory_space<hbm>> -> memref<1x8x1024xf32, #tpu.memory_space<hbm>>
        tpu.enqueue_dma source(%arg7 : memref<1x8x1024xf32, #tpu.memory_space<vmem>>) target(%dma_start3A_111 : memref<1x8x1024xf32, #tpu.memory_space<hbm>>) target_semaphore(%arg9 : memref<!tpu.dma_semaphore, #tpu.memory_space<semaphore_mem>>)
        %add3A_112 = arith.constant 1 : i32
        %add3A_113 = arith.addi %add3A_102, %add3A_112 : i32
        %ge3A_114 = arith.constant 2 : i32
        %ge3A_115 = arith.cmpi sge, %add3A_113, %ge3A_114 : i32
        %convert_element_type3A_116 = arith.extui %ge3A_115 : i1 to i32
        %cond3A_117 = arith.constant 0 : i32
        %cond3A_118 = arith.cmpi ne, %convert_element_type3A_116, %cond3A_117 : i32
        scf.if %cond3A_118 {
          %dma_wait3A_126 = arith.constant 0 : i32
          %dma_wait3A_127 = tpu.memref_slice %arg4[%add3A_113, %multiple_of3A, %dma_wait3A_126] : memref<50x1000x1024xf32, #tpu.memory_space<hbm>> -> memref<1x8x1024xf32, #tpu.memory_space<hbm>>
          %dma_wait3A_128 = arith.constant 0 : i32
          %dma_wait3A_129 = tpu.memref_slice %arg4[%add3A_113, %multiple_of3A, %dma_wait3A_128] : memref<50x1000x1024xf32, #tpu.memory_space<hbm>> -> memref<1x8x1024xf32, #tpu.memory_space<hbm>>
          tpu.wait_dma2 semaphore(%arg10 : memref<!tpu.dma_semaphore, #tpu.memory_space<semaphore_mem>>) src(%arg8 : memref<1x8x1024xf32, #tpu.memory_space<vmem>>) dst(%dma_wait3A_129 : memref<1x8x1024xf32, #tpu.memory_space<hbm>>)
        } else {
        }
        %parallel_loop3A_119 = arith.constant 0 : i32
        %parallel_loop3A_120 = arith.constant 1024 : i32
        %parallel_loop3A_121 = arith.constant 16 : i32
        scf.for %parallel_loop3A_126 = %parallel_loop3A_119 to %parallel_loop3A_120 step %parallel_loop3A_121  : i32 {
          %parallel_loop3A_127 = arith.index_cast %add3A_113 : i32 to index
          %parallel_loop3A_128 = arith.index_cast %parallel_loop3A_126 : i32 to index
          %parallel_loop3A_129 = tpu.vector_load %arg5[%parallel_loop3A_127, %parallel_loop3A_128] {strides = array<i32>} : memref<56x1024xi32, #tpu.memory_space<vmem>>, vector<16xi32>,
          %parallel_loop3A_130 = tpu.vector_load_idx %arg6[%broadcast_in_dim3A_47, %parallel_loop3A_129] : memref<8x1024xf32, #tpu.memory_space<vmem>>[vector<16xi32>, vector<16xi32>], vector<16xf32>,
          %parallel_loop3A_131 = arith.constant 0 : i32
          %parallel_loop3A_132 = arith.constant 0 : i32
          %parallel_loop3A_133 = arith.index_cast %parallel_loop3A_131 : i32 to index
          %parallel_loop3A_134 = arith.index_cast %parallel_loop3A_132 : i32 to index
          %parallel_loop3A_135 = arith.index_cast %parallel_loop3A_126 : i32 to index
          %parallel_loop3A_136 = tpu.vector_load %arg8[%parallel_loop3A_133, %parallel_loop3A_134, %parallel_loop3A_135] {strides = array<i32>} : memref<1x8x1024xf32, #tpu.memory_space<vmem>>, vector<16xf32>,
          tpu.vector_store %arg8[%parallel_loop3A_133, %parallel_loop3A_134, %parallel_loop3A_135], %parallel_loop3A_130 {strides = array<i32>} : memref<1x8x1024xf32, #tpu.memory_space<vmem>>, vector<16xf32>,
          %parallel_loop3A_137 = tpu.vector_load_idx %arg6[%broadcast_in_dim3A_49, %parallel_loop3A_129] : memref<8x1024xf32, #tpu.memory_space<vmem>>[vector<16xi32>, vector<16xi32>], vector<16xf32>,
          %parallel_loop3A_138 = arith.constant 0 : i32
          %parallel_loop3A_139 = arith.constant 1 : i32
          %parallel_loop3A_140 = arith.index_cast %parallel_loop3A_138 : i32 to index
          %parallel_loop3A_141 = arith.index_cast %parallel_loop3A_139 : i32 to index
          %parallel_loop3A_142 = arith.index_cast %parallel_loop3A_126 : i32 to index
          %parallel_loop3A_143 = tpu.vector_load %arg8[%parallel_loop3A_140, %parallel_loop3A_141, %parallel_loop3A_142] {strides = array<i32>} : memref<1x8x1024xf32, #tpu.memory_space<vmem>>, vector<16xf32>,
          tpu.vector_store %arg8[%parallel_loop3A_140, %parallel_loop3A_141, %parallel_loop3A_142], %parallel_loop3A_137 {strides = array<i32>} : memref<1x8x1024xf32, #tpu.memory_space<vmem>>, vector<16xf32>,
          %parallel_loop3A_144 = tpu.vector_load_idx %arg6[%broadcast_in_dim3A_51, %parallel_loop3A_129] : memref<8x1024xf32, #tpu.memory_space<vmem>>[vector<16xi32>, vector<16xi32>], vector<16xf32>,
          %parallel_loop3A_145 = arith.constant 0 : i32
          %parallel_loop3A_146 = arith.constant 2 : i32
          %parallel_loop3A_147 = arith.index_cast %parallel_loop3A_145 : i32 to index
          %parallel_loop3A_148 = arith.index_cast %parallel_loop3A_146 : i32 to index
          %parallel_loop3A_149 = arith.index_cast %parallel_loop3A_126 : i32 to index
          %parallel_loop3A_150 = tpu.vector_load %arg8[%parallel_loop3A_147, %parallel_loop3A_148, %parallel_loop3A_149] {strides = array<i32>} : memref<1x8x1024xf32, #tpu.memory_space<vmem>>, vector<16xf32>,
          tpu.vector_store %arg8[%parallel_loop3A_147, %parallel_loop3A_148, %parallel_loop3A_149], %parallel_loop3A_144 {strides = array<i32>} : memref<1x8x1024xf32, #tpu.memory_space<vmem>>, vector<16xf32>,
          %parallel_loop3A_151 = tpu.vector_load_idx %arg6[%broadcast_in_dim3A_53, %parallel_loop3A_129] : memref<8x1024xf32, #tpu.memory_space<vmem>>[vector<16xi32>, vector<16xi32>], vector<16xf32>,
          %parallel_loop3A_152 = arith.constant 0 : i32
          %parallel_loop3A_153 = arith.constant 3 : i32
          %parallel_loop3A_154 = arith.index_cast %parallel_loop3A_152 : i32 to index
          %parallel_loop3A_155 = arith.index_cast %parallel_loop3A_153 : i32 to index
          %parallel_loop3A_156 = arith.index_cast %parallel_loop3A_126 : i32 to index
          %parallel_loop3A_157 = tpu.vector_load %arg8[%parallel_loop3A_154, %parallel_loop3A_155, %parallel_loop3A_156] {strides = array<i32>} : memref<1x8x1024xf32, #tpu.memory_space<vmem>>, vector<16xf32>,
          tpu.vector_store %arg8[%parallel_loop3A_154, %parallel_loop3A_155, %parallel_loop3A_156], %parallel_loop3A_151 {strides = array<i32>} : memref<1x8x1024xf32, #tpu.memory_space<vmem>>, vector<16xf32>,
          %parallel_loop3A_158 = tpu.vector_load_idx %arg6[%broadcast_in_dim3A_55, %parallel_loop3A_129] : memref<8x1024xf32, #tpu.memory_space<vmem>>[vector<16xi32>, vector<16xi32>], vector<16xf32>,
          %parallel_loop3A_159 = arith.constant 0 : i32
          %parallel_loop3A_160 = arith.constant 4 : i32
          %parallel_loop3A_161 = arith.index_cast %parallel_loop3A_159 : i32 to index
          %parallel_loop3A_162 = arith.index_cast %parallel_loop3A_160 : i32 to index
          %parallel_loop3A_163 = arith.index_cast %parallel_loop3A_126 : i32 to index
          %parallel_loop3A_164 = tpu.vector_load %arg8[%parallel_loop3A_161, %parallel_loop3A_162, %parallel_loop3A_163] {strides = array<i32>} : memref<1x8x1024xf32, #tpu.memory_space<vmem>>, vector<16xf32>,
          tpu.vector_store %arg8[%parallel_loop3A_161, %parallel_loop3A_162, %parallel_loop3A_163], %parallel_loop3A_158 {strides = array<i32>} : memref<1x8x1024xf32, #tpu.memory_space<vmem>>, vector<16xf32>,
          %parallel_loop3A_165 = tpu.vector_load_idx %arg6[%broadcast_in_dim3A_57, %parallel_loop3A_129] : memref<8x1024xf32, #tpu.memory_space<vmem>>[vector<16xi32>, vector<16xi32>], vector<16xf32>,
          %parallel_loop3A_166 = arith.constant 0 : i32
          %parallel_loop3A_167 = arith.constant 5 : i32
          %parallel_loop3A_168 = arith.index_cast %parallel_loop3A_166 : i32 to index
          %parallel_loop3A_169 = arith.index_cast %parallel_loop3A_167 : i32 to index
          %parallel_loop3A_170 = arith.index_cast %parallel_loop3A_126 : i32 to index
          %parallel_loop3A_171 = tpu.vector_load %arg8[%parallel_loop3A_168, %parallel_loop3A_169, %parallel_loop3A_170] {strides = array<i32>} : memref<1x8x1024xf32, #tpu.memory_space<vmem>>, vector<16xf32>,
          tpu.vector_store %arg8[%parallel_loop3A_168, %parallel_loop3A_169, %parallel_loop3A_170], %parallel_loop3A_165 {strides = array<i32>} : memref<1x8x1024xf32, #tpu.memory_space<vmem>>, vector<16xf32>,
          %parallel_loop3A_172 = tpu.vector_load_idx %arg6[%broadcast_in_dim3A_59, %parallel_loop3A_129] : memref<8x1024xf32, #tpu.memory_space<vmem>>[vector<16xi32>, vector<16xi32>], vector<16xf32>,
          %parallel_loop3A_173 = arith.constant 0 : i32
          %parallel_loop3A_174 = arith.constant 6 : i32
          %parallel_loop3A_175 = arith.index_cast %parallel_loop3A_173 : i32 to index
          %parallel_loop3A_176 = arith.index_cast %parallel_loop3A_174 : i32 to index
          %parallel_loop3A_177 = arith.index_cast %parallel_loop3A_126 : i32 to index
          %parallel_loop3A_178 = tpu.vector_load %arg8[%parallel_loop3A_175, %parallel_loop3A_176, %parallel_loop3A_177] {strides = array<i32>} : memref<1x8x1024xf32, #tpu.memory_space<vmem>>, vector<16xf32>,
          tpu.vector_store %arg8[%parallel_loop3A_175, %parallel_loop3A_176, %parallel_loop3A_177], %parallel_loop3A_172 {strides = array<i32>} : memref<1x8x1024xf32, #tpu.memory_space<vmem>>, vector<16xf32>,
          %parallel_loop3A_179 = tpu.vector_load_idx %arg6[%broadcast_in_dim3A_61, %parallel_loop3A_129] : memref<8x1024xf32, #tpu.memory_space<vmem>>[vector<16xi32>, vector<16xi32>], vector<16xf32>,
          %parallel_loop3A_180 = arith.constant 0 : i32
          %parallel_loop3A_181 = arith.constant 7 : i32
          %parallel_loop3A_182 = arith.index_cast %parallel_loop3A_180 : i32 to index
          %parallel_loop3A_183 = arith.index_cast %parallel_loop3A_181 : i32 to index
          %parallel_loop3A_184 = arith.index_cast %parallel_loop3A_126 : i32 to index
          %parallel_loop3A_185 = tpu.vector_load %arg8[%parallel_loop3A_182, %parallel_loop3A_183, %parallel_loop3A_184] {strides = array<i32>} : memref<1x8x1024xf32, #tpu.memory_space<vmem>>, vector<16xf32>,
          tpu.vector_store %arg8[%parallel_loop3A_182, %parallel_loop3A_183, %parallel_loop3A_184], %parallel_loop3A_179 {strides = array<i32>} : memref<1x8x1024xf32, #tpu.memory_space<vmem>>, vector<16xf32>,
        } {sc.loop_unroll_factor = 8 : i64, sc.parallel_access}
        %dma_start3A_122 = arith.constant 0 : i32
        %dma_start3A_123 = tpu.memref_slice %arg4[%add3A_113, %multiple_of3A, %dma_start3A_122] : memref<50x1000x1024xf32, #tpu.memory_space<hbm>> -> memref<1x8x1024xf32, #tpu.memory_space<hbm>>
        %dma_start3A_124 = arith.constant 0 : i32
        %dma_start3A_125 = tpu.memref_slice %arg4[%add3A_113, %multiple_of3A, %dma_start3A_124] : memref<50x1000x1024xf32, #tpu.memory_space<hbm>> -> memref<1x8x1024xf32, #tpu.memory_space<hbm>>
        tpu.enqueue_dma source(%arg8 : memref<1x8x1024xf32, #tpu.memory_space<vmem>>) target(%dma_start3A_125 : memref<1x8x1024xf32, #tpu.memory_space<hbm>>) target_semaphore(%arg10 : memref<!tpu.dma_semaphore, #tpu.memory_space<semaphore_mem>>)
      }
      %scan3A_86 = arith.constant 25 : i32
      %dma_wait3A = arith.constant 48 : i32
      %dma_wait3A_87 = arith.constant 0 : i32
      %dma_wait3A_88 = tpu.memref_slice %arg4[%dma_wait3A, %multiple_of3A, %dma_wait3A_87] : memref<50x1000x1024xf32, #tpu.memory_space<hbm>> -> memref<1x8x1024xf32, #tpu.memory_space<hbm>>
      %dma_wait3A_89 = arith.constant 48 : i32
      %dma_wait3A_90 = arith.constant 0 : i32
      %dma_wait3A_91 = tpu.memref_slice %arg4[%dma_wait3A_89, %multiple_of3A, %dma_wait3A_90] : memref<50x1000x1024xf32, #tpu.memory_space<hbm>> -> memref<1x8x1024xf32, #tpu.memory_space<hbm>>
      tpu.wait_dma2 semaphore(%arg9 : memref<!tpu.dma_semaphore, #tpu.memory_space<semaphore_mem>>) src(%arg7 : memref<1x8x1024xf32, #tpu.memory_space<vmem>>) dst(%dma_wait3A_91 : memref<1x8x1024xf32, #tpu.memory_space<hbm>>)
      %dma_wait3A_92 = arith.constant 49 : i32
      %dma_wait3A_93 = arith.constant 0 : i32
      %dma_wait3A_94 = tpu.memref_slice %arg4[%dma_wait3A_92, %multiple_of3A, %dma_wait3A_93] : memref<50x1000x1024xf32, #tpu.memory_space<hbm>> -> memref<1x8x1024xf32, #tpu.memory_space<hbm>>
      %dma_wait3A_95 = arith.constant 49 : i32
      %dma_wait3A_96 = arith.constant 0 : i32
      %dma_wait3A_97 = tpu.memref_slice %arg4[%dma_wait3A_95, %multiple_of3A, %dma_wait3A_96] : memref<50x1000x1024xf32, #tpu.memory_space<hbm>> -> memref<1x8x1024xf32, #tpu.memory_space<hbm>>
      tpu.wait_dma2 semaphore(%arg10 : memref<!tpu.dma_semaphore, #tpu.memory_space<semaphore_mem>>) src(%arg8 : memref<1x8x1024xf32, #tpu.memory_space<vmem>>) dst(%dma_wait3A_97 : memref<1x8x1024xf32, #tpu.memory_space<hbm>>)
    }
    return
  }
}

</mosaic_0001>

<sc_bundles>
// kernel: kernel.3.cloned.1.call-start
scs
__scs_entry_jumppad:
0x0: {  	(pc) =	sbr.rel $0x88, $3  }
0x1: {  	(tag) =	ssettag $0x0;
	lr =	simm.s32 $0x1  }
0x2: {  	[smem:$0x3F9F] =	sst lr;
	_ =	strace $0xD0000000  }
0x3: {  	_ = 	snop  }
0x4: {  	_ = 	snop  }
0x5: {  	_ = 	snop  }
0x6: {  	_ = 	snop  }
0x7: {  	_ = 	snop  }
__scs_overlays_trampoline_lowered:
0x8: {  	[smem:$0x3FAE] =	sst s0  }
0x9: {  	[smem:$0x3FAF] =	sst s1  }
0xa: {  	[smem:$0x3FB0] =	sst s2  }
0xb: {  	[smem:$0x3FB1] =	sst s3  }
0xc: {  	[smem:$0x3FB2] =	sst s4  }
0xd: {  	[smem:$0x3FB3] =	sst s5  }
0xe: {  	[smem:$0x3FB4] =	sst s6  }
0xf: {  	[smem:$0x3FB5] =	sst s7  }
0x10: {  	[smem:$0x3FB6] =	sst s8  }
0x11: {  	[smem:$0x3FB7] =	sst s9;
	s0 =	simm.s32 @!p0 $0x0  }
0x12: {  	s1 =	sld [smem:$0x3F9D];
	s0 =	simm.s32 @p0 $0x1  }
0x13: {  	[smem:$0x3FB8] =	sst s0;
	s0 =	simm.s32 @!p1 $0x0  }
0x14: {  	s2 =	sld [smem:$0x3F9C];
	s0 =	simm.s32 @p1 $0x1  }
0x15: {  	[smem:$0x3FB9] =	sst s0;
	s0 =	simm.s32 @!p2 $0x0  }
0x16: {  	s3 =	sld [smem:$0x3FDB];
	s0 =	simm.s32 @p2 $0x1  }
0x17: {  	s4 =	simm.s32 $0x1BF5;
	[smem:$0x3FBB] =	sst s0  }
0x18: {  	s0 =	sld [smem:$0x3F9E];
	_ =	swait.ge [sflag:s4], $0x0  }
0x19: {  	s7 =	sld [smem:$0x3F9F]  }
0x1a: {  	s8 =	sadd.s32 $0xFFFFE003, lr  }
0x1b: {  	s9 =	sadd.s32 $0xFFFFFEF7, lr;
	s5 =	simm.s32 $0xFFFFFFFF;
	p2 =	slt.u32 s8, $0xFFFFF086  }
0x1c: {  	p1 =	slt.u32 s9, $0xF7A;
	s5 =	simm.s32 @!p2 $0x0  }
0x1d: {  	s5 =	simm.s32 @p1 $0x1;
	p0 =	seq.s32 s7, s2  }
0x1e: {  	s7 =	smul.u32 @!p0 $0xF7A, s2;
	p2 =	seq.s32 @!p0 s5, $0x0  }
0x1f: {  	s9 =	smul.u32 $0xF7A, s1;
	s8 =	simm.s32 @!p0 $0x1BF5;
	p2 =	por !p2, p0  }
0x20: {  	[sflag:s8] =	ssyncset.s32 @!p0 $0xFFFFF086;
	s6 =	sadd.s32 @!p0 s3, s7;
	s7 =	simm.s32 @!p0 $0x108  }
0x21: {  	s3 =	sadd.s32 s3, s9;
	s6 =	sadd.s32 @!p0 $0x88, s6;
	s7 =	simm.s32 @p2 $0x1082  }
0x22: {  	[simem:s7], [sflag:s8] =	dma.local @!p0 [hbm:s6], $0xF7A  }
0x23: {  	s9 =	sor.u32 $0xD0000000, s2;
	s6 =	simm.s32 $0x108;
	_ =	swait.ge @!p0 [sflag:s8], $0x0  }
0x24: {  	s3 =	sadd.s32 $0x88, s3;
	s6 =	simm.s32 @!p1 $0x1082;
	[sflag:s4] =	ssyncset.s32 $0xFFFFF086  }
0x25: {  	[simem:s6], [sflag:s4] =	dma.local [hbm:s3], $0xF7A  }
0x26: {  	[smem:$0x3F9F] =	sst s1;
	(tag) =	ssettag s2;
	_ =	strace s9  }
0x27: {  	s1 =	sld [smem:$0x3FAF]  }
0x28: {  	s2 =	sld [smem:$0x3FB0]  }
0x29: {  	s4 =	sld [smem:$0x3FB2]  }
0x2a: {  	p0 =	seq.s32 s5, $0x0;
	s5 =	sld [smem:$0x3FB3]  }
0x2b: {  	s6 =	sld [smem:$0x3FB4]  }
0x2c: {  	s7 =	sld [smem:$0x3FB5]  }
0x2d: {  	s3 =	simm.s32 $0x108;
	s8 =	sld [smem:$0x3FB6]  }
0x2e: {  	s3 =	simm.s32 @!p0 $0x1082;
	s9 =	sld [smem:$0x3FB7]  }
0x2f: {  	lr =	sadd.s32 s0, s3;
	s0 =	sld [smem:$0x3FAE]  }
0x30: {  	s3 =	sld [smem:$0x3FB1]  }
0x31: {  	[smem:$0x3FBA] =	sst s10  }
0x32: {  	s10 =	sld [smem:$0x3FB8];
	_ =	sdelay $0x3  }
0x33: {  	p0 =	seq.s32 s10, $0x1;
	s10 =	sld [smem:$0x3FBA];
	_ =	sdelay $0x3  }
0x34: {  	[smem:$0x3FBA] =	sst s10  }
0x35: {  	s10 =	sld [smem:$0x3FB9];
	_ =	sdelay $0x3  }
0x36: {  	p1 =	seq.s32 s10, $0x1;
	s10 =	sld [smem:$0x3FBA];
	_ =	sdelay $0x3  }
0x37: {  	[smem:$0x3FBA] =	sst s10  }
0x38: {  	s10 =	sld [smem:$0x3FBB]  }
0x39: {  	_ = 	snop;
	(pc) =	sbr.ind lr, $3  }
0x3a: {  	_ = 	snop  }
0x3b: {  	_ = 	snop  }
0x3c: {  	p2 =	seq.s32 s10, $0x1;
	s10 =	sld [smem:$0x3FBA]  }
0x3d: {  	_ =	shalt  }
0x3e: {  	_ =	shalt  }
0x3f: {  	_ =	shalt  }
0x40: {  	_ =	shalt  }
0x41: {  	_ =	shalt  }
0x42: {  	_ =	shalt  }
0x43: {  	_ =	shalt  }
0x44: {  	_ =	shalt  }
0x45: {  	_ =	shalt  }
0x46: {  	_ =	shalt  }
0x47: {  	_ =	shalt  }
0x48: {  	_ =	shalt  }
0x49: {  	_ =	shalt  }
0x4a: {  	_ =	shalt  }
0x4b: {  	_ =	shalt  }
0x4c: {  	_ =	shalt  }
0x4d: {  	_ =	shalt  }
0x4e: {  	_ =	shalt  }
0x4f: {  	_ =	shalt  }
0x50: {  	_ =	shalt  }
0x51: {  	_ =	shalt  }
0x52: {  	_ =	shalt  }
0x53: {  	_ =	shalt  }
0x54: {  	_ =	shalt  }
0x55: {  	_ =	shalt  }
0x56: {  	_ =	shalt  }
0x57: {  	_ =	shalt  }
0x58: {  	_ =	shalt  }
0x59: {  	_ =	shalt  }
0x5a: {  	_ =	shalt  }
0x5b: {  	_ =	shalt  }
0x5c: {  	_ =	shalt  }
0x5d: {  	_ =	shalt  }
0x5e: {  	_ =	shalt  }
0x5f: {  	_ =	shalt  }
0x60: {  	_ =	shalt  }
0x61: {  	_ =	shalt  }
0x62: {  	_ =	shalt  }
0x63: {  	_ =	shalt  }
0x64: {  	_ =	shalt  }
0x65: {  	_ =	shalt  }
0x66: {  	_ =	shalt  }
0x67: {  	_ =	shalt  }
0x68: {  	_ =	shalt  }
0x69: {  	_ =	shalt  }
0x6a: {  	_ =	shalt  }
0x6b: {  	_ =	shalt  }
0x6c: {  	_ =	shalt  }
0x6d: {  	_ =	shalt  }
0x6e: {  	_ =	shalt  }
0x6f: {  	_ =	shalt  }
0x70: {  	_ =	shalt  }
0x71: {  	_ =	shalt  }
0x72: {  	_ =	shalt  }
0x73: {  	_ =	shalt  }
0x74: {  	_ =	shalt  }
0x75: {  	_ =	shalt  }
0x76: {  	_ =	shalt  }
0x77: {  	_ =	shalt  }
0x78: {  	_ =	shalt  }
0x79: {  	_ =	shalt  }
0x7a: {  	_ =	shalt  }
0x7b: {  	_ =	shalt  }
0x7c: {  	_ =	shalt  }
0x7d: {  	_ =	shalt  }
0x7e: {  	_ =	shalt  }
0x7f: {  	_ =	shalt  }
0x80: {  	_ =	shalt  }
0x81: {  	_ =	shalt  }
0x82: {  	_ =	shalt  }
0x83: {  	_ =	shalt  }
0x84: {  	_ =	shalt  }
0x85: {  	_ =	shalt  }
0x86: {  	_ =	shalt  }
0x87: {  	_ =	shalt  }
.Lfunc_end0:
.L_simem_size_0:
called_computation_lowered:
.L_overlay_start_0:
0x88: {  	s2 =	sld [smem:$0x3FD9]  }
0x89: {  	s3 =	sld [smem:$0x3FFE];
	_ =	sdelay $0x1  }
0x8a: {  	s1 =	srdreg.scid  }
0x8b: {  	s0 =	sand.u32 $0x1, s1  }
0x8c: {  	s17 =	sshll.u32 s0, $0xA;
	s2 =	sadd.s32 s3, s2  }
0x8d: {  	s2 =	sadd.s32 s2, s17  }
0x8e: {  	[smem:$0x3FC6] =	sst s2  }
0x8f: {  	_ = 	snop  }
0x90: {  	s2 =	sld [smem:$0x3FD0];
	(tm) =	ssettm $0x1  }
0x91: {  	s18 =	sld [smem:$0x3FFB];
	_ =	sdelay $0x3  }
0x92: {  	_ =	strace s18  }
0x93: {  	s3 =	sld [smem:$0x3FFC];
	_ =	sdelay $0x3  }
0x94: {  	_ =	strace s3  }
0x95: {  	s3 =	sld [smem:$0x3FFD];
	_ =	sdelay $0x3  }
0x96: {  	_ =	strace s3  }
0x97: {  	_ =	strace $0x8FFFFFFF  }
0x98: {  	s19 =	sld [smem:$0x3FDB];
	_ =	sdelay $0x1  }
0x99: {  	s4 =	simm.s32 $_scs_section_size  }
0x9a: {  	s5 =	simm.s32 $_size__tile_overlayer_lowered;
	s6 =	simm.s32 $_tile_overlayer_lowered  }
0x9b: {  	s22 =	simm.s32 $0x1BFF;
	s21 =	sshll.u32 s6, $0x1;
	s3 =	sadd.s32 s4, s19  }
0x9c: {  	s7 =	simm.s32 $0x0;
	s20 =	sshll.u32 s5, $0x1;
	s5 =	sadd.s32 s21, s3  }
0x9d: {  	[timem:s7], [sflag:s22] =	dma.local [hbm:s5], s20  }
0x9e: {  	_ =	swait.ge [sflag:s22], s20  }
0x9f: {  	s4 =	ssub.s32 $0x0, s20;
	[sflag:s22] =	ssyncset.done $0x0  }
0xa0: {  	[sflag:s22] =	ssyncadd.s32 s4;
	_ =	sdelay $0x1  }
0xa1: {  	s23 =	simm.s32 $0x1B8B  }
0xa2: {  	_ =	swait.ge [sflag:s23], $0x1  }
0xa3: {  	[sflag:s23] =	ssyncset.done $0x0  }
0xa4: {  	s25 =	simm.s32 $0x1B8E;
	s24 =	sld [smem:$0x3FFE];
	[sflag:s23] =	ssyncadd.s32 $0xFFFFFFFF  }
0xa5: {  	s26 =	simm.s32 $execute0_lowered;
	[smem:$0x3FD2] =	sst s25  }
0xa6: {  	s5 =	sshll.u32 s26, $0x1;
	_ =	strace $0x80000046;
	[dreg:$0x1] =	wrdreg $0xFFFFFFFF  }
0xa7: {  	s28 =	simm.s32 $_size_execute0_lowered;
	s3 =	sadd.s32 s3, s5;
	[dreg:$0x0] =	wrdreg $0x0  }
0xa8: {  	s5 =	sshll.u32 s28, $0x1;
	[dreg:$0x2] =	wrdreg s3  }
0xa9: {  	[dreg:$0x3] =	wrdreg s5  }
0xaa: {  	[dreg:$0x4] =	wrdreg $0xC0  }
0xab: {  	_ =	task [dreg:s7], $0x5FFFF  }
0xac: {  	[dreg:$0x1] =	wrdreg $0xFFFFFFFF  }
0xad: {  	[dreg:$0x0] =	wrdreg $0x60  }
0xae: {  	[dreg:$0x2] =	wrdreg s24  }
0xaf: {  	[dreg:$0x3] =	wrdreg s2  }
0xb0: {  	[dreg:$0x4] =	wrdreg $0x9  }
0xb1: {  	_ =	task.clear_ibuf [dreg:s7], $0x5FFFF;
	_ =	strace $0x90000046  }
0xb2: {  	s29 =	simm.s32 $0x9;
	_ =	strace $0x80000048  }
0xb3: {  	_ =	swait.ge [sflag:s29], $0x1  }
0xb4: {  	[sflag:s29] =	ssyncadd.s32 $0xFFFFFFFF  }
0xb5: {  	_ =	strace $0x90000048  }
0xb6: {  	_ =	sfence  }
0xb7: {  	s30 =	sld [smem:$0x0];
	_ =	sdelay $0x2  }
0xb8: {  	s31 =	sshll.u32 s1, $0xD;
	s1 =	sshrl.u32 s1, $0x2  }
0xb9: {  	s3 =	sand.u32 $0x4000, s31;
	s1 =	sadd.s32 s1, s30  }
0xba: {  	s0 =	sor.u32 s3, s0;
	s1 =	sshll.u32 s1, $0x11  }
0xbb: {  	s0 =	sor.u32 s1, s0  }
0xbc: {  	s0 =	sadd.s32 $0x8F2B, s0  }
0xbd: {  	[sflag:s0] =	ssyncadd.remote.s32 $0x1  }
0xbe: {  	_ =	sfence.sel $0xFFFF  }
0xbf: {  	[dreg:$0x0] =	wrdreg $0xFFFFFFFF;
	(pc) =	sbr.abs _section_cstart, $3  }
0xc0: {  	[dreg:$0x1] =	wrdreg $0xFFFFFFFF  }
0xc1: {  	_ =	task.clear_ibuf [dreg:s7], $0x2FFFF;
	_ =	strace $0x9FFFFFFF  }
0xc2: {  	(tm) =	ssettm $0x7FFFFFFF  }
0xc3: {  	_ =	shalt  }
tec
execute0_lowered:
.L_overlay_start_1:
0x0: {  	(tag) =	ssettag $0x1  }
0x1: {  	s6 =	rddreg [dreg:$0x0];
	s1 =	srdreg.scid  }
0x2: {  	s0 =	stileid.u32;
	s2 =	rddreg [dreg:$0x1]  }
0x3: {  	s3 =	simm.s32 $0x0;
	s11 =	simm.s32 $0x10000;
	s12 =	simm.s32 $0x12000  }
0x4: {  	s13 =	simm.s32 $0x1;
	s5 =	sand.u32 $0x1, s1;
	s4 =	sshll.u32 s0, $0x1  }
0x5: {  	s14 =	simm.s32 $0x2;
	s1 =	rddreg [dreg:$0x2];
	s4 =	sor.u32 s5, s4  }
0x6: {  	s15 =	simm.s32 $0x0;
	[smem:$0x7FF] =	sst s3;
	s7 =	smul.u32 $0x7D, s4  }
.Ltmp0:
0x7: {  	_ =	strace $0x80000047;
	s8 =	ssub.s32 $0x2, s5;
	(pc) =	sbr.rel .LBB2_1-.Ltmp0, $4  }
0x8: {  	s4 =	sadd.s32 $0x600, s6;
	s10 =	sshrl.u32 s8, $0x1;
	s9 =	sadd.s32 $0x7D, s7  }
0x9: {  	s6 =	sadd.s32 $0x2200, s6;
	s5 =	sshrl.u32 s7, $0x5;
	s31 =	sshrl.u32 s9, $0x5  }
0xa: {  	s8 =	ssub.s32 s8, s10;
	s10 =	simm.s32 $0xE000;
	s7 =	ssub.s32 s31, s5  }
0xb: {  	s8 =	smax.u32 s8, $0x1;
	s9 =	simm.s32 $0x3;
	p0 =	slt.s32 s7, $0x1  }
.LBB2_9:
0xc: {  	s15 =	sadd.s32 $0x1, s15  }
0xd: {  	p1 =	sne.s32 s15, s8  }
.Ltmp1:
0xe: {  	_ = 	snop;
	(pc) =	sbr.rel @!p1 .LBB2_10-.Ltmp1, $1  }
0xf: {  	_ =	sdelay $0x3  }
.LBB2_1:
.Ltmp2:
0x10: {  	(pc) =	sbr.rel @p0 .LBB2_9-.Ltmp2, $4  }
0x11: {  	[tilespmem:s3], [sflag:$0x3] =	stream.linear.gather [hbm4b:s4+s3], $0xE000, $0x38;
	[tilespmem:$0x14000] =	vst v63  }
0x12: {  	_ =	swait.ge [sflag:s9], $0xE000  }
0x13: {  	[sflag:s9] =	ssyncset.done $0x0  }
0x14: {  	s16 =	simm.s32 $0x0;
	[sflag:s9] =	ssyncadd.s32 $0xFFFF2000  }
.LBB2_2:
0x15: {  	s17 =	sadd.s32 s5, s16  }
0x16: {  	s17 =	sshll.u32 s17, $0xD  }
0x17: {  	s18 =	sshrl.u32 s17, $0x3  }
0x18: {  	s19 =	sadd.s32 s6, s18;
	s18 =	simm.s32 $0x0  }
0x19: {  	[tilespmem:s10], [sflag:$0x3] =	stream.linear.gather [hbm4b:s19+s18], $0x2000, $0x38;
	[tilespmem:$0x14000] =	vst v63  }
0x1a: {  	_ =	swait.ge [sflag:s9], $0x2000  }
0x1b: {  	s20 =	simm.s32 $0x0;
	[sflag:s9] =	ssyncset.done $0x0  }
0x1c: {  	s21 =	simm.s32 $0x0;
	s19 =	simm.s32 $0x0;
	[sflag:s9] =	ssyncadd.s32 $0xFFFFE000  }
.LBB2_3:
0x1d: {  	s22 =	sshll.u32 s20, $0x2;
	s23 =	sand.u32 $0x3, s19;
	p1 =	seq.s32 s21, $0x0  }
0x1e: {  	s22 =	sand.u32 $0xFFFF8000, s22;
	s23 =	sshll.u32 s23, $0xA;
	s24 =	simm.s32 @!p1 $0x1  }
0x1f: {  	s23 =	sor.u32 s23, s22;
	_ =	swait.ge @!p1 [sflag:s24], $0x2000  }
0x20: {  	s23 =	sshrl.u32 s23, $0x2;
	[sflag:s24] =	ssyncset.done @!p1 $0x0  }
0x21: {  	s25 =	sor.u32 $0x40, s23;
	[sflag:s24] =	ssyncadd.s32 @!p1 $0xFFFFE000  }
0x22: {  	v0 =	vld [tilespmem:s25+$0x30]  }
0x23: {  	v1 =	vld [tilespmem:s25+$0xFFFFFFD0]  }
0x24: {  	v6 =	vld [tilespmem:s25+$0xFFFFFFF0]  }
0x25: {  	v3 =	vld [tilespmem:s25+$0xFFFFFFE0]  }
0x26: {  	v5 =	vld [tilespmem:s25+$0xFFFFFFC0]  }
0x27: {  	v2 =	vshll.u32 v0, $0x3  }
0x28: {  	v0 =	vand.u32 $0x7F, v0;
	v2 =	vand.u32 $0xFFFFFC00, v2  }
0x29: {  	v13 =	vshll.u32 v6, $0x3;
	v4 =	vor.u32 v0, v2;
	v0 =	vshll.u32 v1, $0x3  }
0x2a: {  	v6 =	vand.u32 $0x7F, v6;
	v2 =	vand.u32 $0xFFFFFC00, v0;
	v0 =	vshll.u32 v3, $0x3  }
0x2b: {  	v8 =	vld [tilespmem:s25+$0x10];
	v1 =	vand.u32 $0x7F, v1;
	v9 =	vand.u32 $0xFFFFFC00, v0;
	v0 =	vshll.u32 v5, $0x3  }
0x2c: {  	v7 =	vld [tilespmem:s25+$0x0];
	v5 =	vand.u32 $0x7F, v5;
	v2 =	vor.u32 v1, v2;
	v0 =	vand.u32 $0xFFFFFC00, v0  }
0x2d: {  	v3 =	vand.u32 $0x7F, v3;
	v0 =	vor.u32 v5, v0;
	v5 =	vand.u32 $0xFFFFFC00, v13  }
0x2e: {  	v1 =	vor.u32 v3, v9;
	v10 =	vld.idx.msk [tilespmem:v4+s10+$0x0], $0xffff;
	v3 =	vor.u32 v6, v5  }
0x2f: {  	v12 =	vld [tilespmem:s25+$0x20];
	v11 =	vor.u32 $0x80, v4  }
0x30: {  	v9 =	vshll.u32 v8, $0x3  }
0x31: {  	v13 =	vshll.u32 v7, $0x3;
	v5 =	vand.u32 $0xFFFFFC00, v9;
	v9 =	vld.idx.msk [tilespmem:v2+s10+$0x0], $0xffff  }
0x32: {  	s24 =	simm.s32 $0x10200;
	v15 =	vor.u32 $0x80, v2;
	v7 =	vand.u32 $0x7F, v7;
	v13 =	vand.u32 $0xFFFFFC00, v13  }
0x33: {  	v6 =	vand.u32 $0x7F, v8;
	[tilespmem:s24+$0xFFFFFE70] =	vst v10;
	v10 =	vor.u32 v7, v13;
	v14 =	vld.idx.msk [tilespmem:v3+s10+$0x0], $0xffff  }
0x34: {  	v8 =	vshll.u32 v12, $0x3;
	v7 =	vld.idx.msk [tilespmem:v11+s10+$0x0], $0xffff;
	v11 =	vor.u32 v6, v5  }
0x35: {  	v13 =	vor.u32 $0x100, v4;
	v5 =	vld.idx.msk [tilespmem:v0+s10+$0x0], $0xffff;
	v6 =	vand.u32 $0xFFFFFC00, v8;
	v8 =	vand.u32 $0x7F, v12  }
0x36: {  	v12 =	vor.u32 v8, v6;
	v6 =	vld.idx.msk [tilespmem:v1+s10+$0x0], $0xffff;
	v8 =	vor.u32 $0x80, v0;
	[tilespmem:s24+$0xFFFFFE10] =	vst v9  }
0x37: {  	v15 =	vld.idx.msk [tilespmem:v15+s10+$0x0], $0xffff  }
0x38: {  	v17 =	vor.u32 $0x80, v1;
	v16 =	vld.idx.msk [tilespmem:v10+s10+$0x0], $0xffff  }
0x39: {  	v18 =	vld.idx.msk [tilespmem:v11+s10+$0x0], $0xffff;
	[tilespmem:s24+$0xFFFFFEF0] =	vst v7;
	v7 =	vor.u32 $0x80, v3  }
0x3a: {  	[tilespmem:s24+$0xFFFFFE00] =	vst v5;
	v5 =	vld.idx.msk [tilespmem:v13+s10+$0x0], $0xffff;
	v13 =	vor.u32 $0x80, v10  }
0x3b: {  	v19 =	vor.u32 $0x80, v11;
	[tilespmem:s24+$0xFFFFFE30] =	vst v14;
	v8 =	vld.idx.msk [tilespmem:v8+s10+$0x0], $0xffff  }
0x3c: {  	v9 =	vld.idx.msk [tilespmem:v12+s10+$0x0], $0xffff;
	[tilespmem:s24+$0xFFFFFE20] =	vst v6;
	v6 =	vor.u32 $0x180, v4  }
0x3d: {  	v14 =	vor.u32 $0x80, v12;
	v17 =	vld.idx.msk [tilespmem:v17+s10+$0x0], $0xffff;
	[tilespmem:s24+$0xFFFFFE40] =	vst v16  }
0x3e: {  	v16 =	vor.u32 $0x100, v0;
	v7 =	vld.idx.msk [tilespmem:v7+s10+$0x0], $0xffff;
	[tilespmem:s24+$0xFFFFFE50] =	vst v18  }
0x3f: {  	v18 =	vor.u32 $0x100, v2;
	v13 =	vld.idx.msk [tilespmem:v13+s10+$0x0], $0xffff;
	[tilespmem:s24+$0xFFFFFF70] =	vst v5  }
0x40: {  	v5 =	vor.u32 $0x100, v1;
	[tilespmem:s24+$0xFFFFFE80] =	vst v8;
	v8 =	vld.idx.msk [tilespmem:v19+s10+$0x0], $0xffff  }
0x41: {  	[tilespmem:s24+$0xFFFFFE60] =	vst v9;
	v9 =	vor.u32 $0x100, v3;
	v6 =	vld.idx.msk [tilespmem:v6+s10+$0x0], $0xffff  }
0x42: {  	[tilespmem:s24+$0xFFFFFE90] =	vst v15;
	v19 =	vor.u32 $0x100, v10;
	v14 =	vld.idx.msk [tilespmem:v14+s10+$0x0], $0xffff  }
0x43: {  	[tilespmem:s24+$0xFFFFFEA0] =	vst v17;
	v17 =	vor.u32 $0x100, v11;
	v16 =	vld.idx.msk [tilespmem:v16+s10+$0x0], $0xffff  }
0x44: {  	v15 =	vor.u32 $0x200, v4;
	v18 =	vld.idx.msk [tilespmem:v18+s10+$0x0], $0xffff;
	[tilespmem:s24+$0xFFFFFEB0] =	vst v7  }
0x45: {  	v7 =	vor.u32 $0x100, v12;
	v5 =	vld.idx.msk [tilespmem:v5+s10+$0x0], $0xffff;
	[tilespmem:s24+$0xFFFFFEC0] =	vst v13  }
0x46: {  	v13 =	vor.u32 $0x180, v0;
	v9 =	vld.idx.msk [tilespmem:v9+s10+$0x0], $0xffff;
	[tilespmem:s24+$0xFFFFFED0] =	vst v8  }
0x47: {  	[tilespmem:s24+$0xFFFFFFF0] =	vst v6;
	v6 =	vor.u32 $0x180, v2;
	v19 =	vld.idx.msk [tilespmem:v19+s10+$0x0], $0xffff  }
0x48: {  	[tilespmem:s24+$0xFFFFFEE0] =	vst v14;
	v14 =	vld.idx.msk [tilespmem:v17+s10+$0x0], $0xffff;
	v17 =	vor.u32 $0x180, v3  }
0x49: {  	v8 =	vld.idx.msk [tilespmem:v15+s10+$0x0], $0xffff;
	v15 =	vor.u32 $0x180, v1;
	[tilespmem:s24+$0xFFFFFF00] =	vst v16  }
0x4a: {  	v16 =	vor.u32 $0x280, v4;
	[tilespmem:s24+$0xFFFFFF10] =	vst v18;
	v7 =	vld.idx.msk [tilespmem:v7+s10+$0x0], $0xffff  }
0x4b: {  	v18 =	vor.u32 $0x180, v10;
	v13 =	vld.idx.msk [tilespmem:v13+s10+$0x0], $0xffff;
	[tilespmem:s24+$0xFFFFFF20] =	vst v5  }
0x4c: {  	v5 =	vor.u32 $0x180, v11;
	[tilespmem:s24+$0xFFFFFF30] =	vst v9;
	v6 =	vld.idx.msk [tilespmem:v6+s10+$0x0], $0xffff  }
0x4d: {  	v9 =	vor.u32 $0x180, v12;
	[tilespmem:s24+$0xFFFFFF40] =	vst v19;
	v17 =	vld.idx.msk [tilespmem:v17+s10+$0x0], $0xffff  }
0x4e: {  	v15 =	vld.idx.msk [tilespmem:v15+s10+$0x0], $0xffff;
	[tilespmem:s24+$0x70] =	vst v8;
	v8 =	vor.u32 $0x200, v0  }
0x4f: {  	v19 =	vor.u32 $0x200, v2;
	[tilespmem:s24+$0xFFFFFF50] =	vst v14;
	v16 =	vld.idx.msk [tilespmem:v16+s10+$0x0], $0xffff  }
0x50: {  	v14 =	vld.idx.msk [tilespmem:v18+s10+$0x0], $0xffff;
	[tilespmem:s24+$0xFFFFFF60] =	vst v7;
	v7 =	vor.u32 $0x300, v4  }
0x51: {  	v18 =	vor.u32 $0x200, v1;
	[tilespmem:s24+$0xFFFFFF80] =	vst v13;
	v5 =	vld.idx.msk [tilespmem:v5+s10+$0x0], $0xffff  }
0x52: {  	v13 =	vor.u32 $0x200, v3;
	[tilespmem:s24+$0xFFFFFF90] =	vst v6;
	v6 =	vld.idx.msk [tilespmem:v9+s10+$0x0], $0xffff  }
0x53: {  	v9 =	vor.u32 $0x200, v10;
	v8 =	vld.idx.msk [tilespmem:v8+s10+$0x0], $0xffff;
	[tilespmem:s24+$0xFFFFFFA0] =	vst v15  }
0x54: {  	v15 =	vor.u32 $0x200, v11;
	v19 =	vld.idx.msk [tilespmem:v19+s10+$0x0], $0xffff;
	[tilespmem:s24+$0xF0] =	vst v16  }
0x55: {  	[tilespmem:s24+$0xFFFFFFB0] =	vst v17;
	v16 =	vor.u32 $0x200, v12;
	v7 =	vld.idx.msk [tilespmem:v7+s10+$0x0], $0xffff  }
0x56: {  	v17 =	vor.u32 $0x280, v0;
	v18 =	vld.idx.msk [tilespmem:v18+s10+$0x0], $0xffff;
	[tilespmem:s24+$0xFFFFFFC0] =	vst v14  }
0x57: {  	v4 =	vor.u32 $0x380, v4;
	v13 =	vld.idx.msk [tilespmem:v13+s10+$0x0], $0xffff;
	[tilespmem:s24+$0xFFFFFFD0] =	vst v5  }
0x58: {  	v5 =	vor.u32 $0x280, v2;
	v9 =	vld.idx.msk [tilespmem:v9+s10+$0x0], $0xffff;
	[tilespmem:s24+$0xFFFFFFE0] =	vst v6  }
0x59: {  	v6 =	vor.u32 $0x280, v1;
	[tilespmem:s24+$0x0] =	vst v8;
	v8 =	vld.idx.msk [tilespmem:v15+s10+$0x0], $0xffff  }
0x5a: {  	v14 =	vor.u32 $0x280, v3;
	[tilespmem:s24+$0x10] =	vst v19;
	v15 =	vld.idx.msk [tilespmem:v16+s10+$0x0], $0xffff  }
0x5b: {  	v16 =	vor.u32 $0x280, v10;
	v17 =	vld.idx.msk [tilespmem:v17+s10+$0x0], $0xffff;
	[tilespmem:s24+$0x170] =	vst v7  }
0x5c: {  	v7 =	vor.u32 $0x280, v11;
	[tilespmem:s24+$0x20] =	vst v18;
	v4 =	vld.idx.msk [tilespmem:v4+s10+$0x0], $0xffff  }
0x5d: {  	v18 =	vor.u32 $0x280, v12;
	v5 =	vld.idx.msk [tilespmem:v5+s10+$0x0], $0xffff;
	[tilespmem:s24+$0x30] =	vst v13  }
0x5e: {  	v13 =	vor.u32 $0x300, v0;
	v6 =	vld.idx.msk [tilespmem:v6+s10+$0x0], $0xffff;
	[tilespmem:s24+$0x40] =	vst v9  }
0x5f: {  	v9 =	vor.u32 $0x300, v2;
	v19 =	vld.idx.msk [tilespmem:v14+s10+$0x0], $0xffff;
	[tilespmem:s24+$0x50] =	vst v8  }
0x60: {  	v20 =	vor.u32 $0x300, v1;
	v21 =	vld.idx.msk [tilespmem:v16+s10+$0x0], $0xffff;
	[tilespmem:s24+$0x60] =	vst v15  }
0x61: {  	v22 =	vor.u32 $0x300, v3;
	[tilespmem:s24+$0x80] =	vst v17;
	v17 =	vld.idx.msk [tilespmem:v7+s10+$0x0], $0xffff  }
0x62: {  	v23 =	vor.u32 $0x300, v10;
	v15 =	vld.idx.msk [tilespmem:v18+s10+$0x0], $0xffff;
	[tilespmem:s24+$0x1F0] =	vst v4  }
0x63: {  	s31 =	sand.u32 $0x7, s18;
	v14 =	vld.idx.msk [tilespmem:v13+s10+$0x0], $0xffff;
	[tilespmem:s24+$0x90] =	vst v5  }
0x64: {  	s23 =	sshll.u32 s31, $0x9;
	v13 =	vld.idx.msk [tilespmem:v9+s10+$0x0], $0xffff;
	[tilespmem:s24+$0xA0] =	vst v6  }
0x65: {  	s22 =	sor.u32 s23, s22;
	v8 =	vor.u32 $0x300, v11;
	v7 =	vor.u32 $0x380, v0;
	v0 =	vor.u32 $0x380, v12;
	[tilespmem:s24+$0xB0] =	vst v19;
	v16 =	vld.idx.msk [tilespmem:v20+s10+$0x0], $0xffff  }
0x66: {  	s26 =	simm.s32 $0x0;
	s23 =	sshll.u32 s21, $0x1;
	s22 =	sshrl.u32 s22, $0x2;
	v5 =	vor.u32 $0x380, v1;
	v4 =	vor.u32 $0x380, v3;
	v1 =	vor.u32 $0x380, v11;
	v3 =	vld.idx.msk [tilespmem:v22+s10+$0x0], $0xffff;
	[tilespmem:s24+$0xC0] =	vst v21  }
0x67: {  	s28 =	sadd.s32 $0x400, s25;
	s25 =	simm.s32 $0x10200;
	s22 =	sadd.s32 $0xF0, s22;
	v6 =	vor.u32 $0x380, v2;
	v9 =	vor.u32 $0x300, v12;
	v2 =	vor.u32 $0x380, v10;
	v10 =	vld.idx.msk [tilespmem:v23+s10+$0x0], $0xffff;
	[tilespmem:s24+$0xD0] =	vst v17  }
.LBB2_4:
0x68: {  	v11 =	vld [tilespmem:s28+$0x30];
	s26 =	sadd.s32 $0x80, s26;
	[tilespmem:s24+$0xE0] =	vst v15  }
0x69: {  	v12 =	vld [tilespmem:s28+$0xFFFFFFD0];
	p2 =	slt.u32 s26, $0x380;
	[tilespmem:s24+$0x100] =	vst v14  }
0x6a: {  	v14 =	vld [tilespmem:s28+$0xFFFFFFE0];
	[tilespmem:s24+$0x110] =	vst v13  }
0x6b: {  	v13 =	vld [tilespmem:s28+$0xFFFFFFF0];
	[tilespmem:s24+$0x120] =	vst v16  }
0x6c: {  	v15 =	vld [tilespmem:s28+$0x0];
	[tilespmem:s24+$0x130] =	vst v3  }
0x6d: {  	v16 =	vld [tilespmem:s28+$0x10];
	v3 =	vshll.u32 v11, $0x3;
	[tilespmem:s24+$0x140] =	vst v10  }
0x6e: {  	v11 =	vand.u32 $0x7F, v11;
	v10 =	vshll.u32 v12, $0x3;
	v17 =	vld [tilespmem:s28+$0x20];
	v3 =	vand.u32 $0xFFFFFC00, v3  }
0x6f: {  	v18 =	vld [tilespmem:s28+$0xFFFFFFC0];
	v10 =	vand.u32 $0xFFFFFC00, v10;
	v19 =	vshll.u32 v14, $0x3;
	v3 =	vor.u32 v11, v3  }
0x70: {  	v11 =	vand.u32 $0x7F, v12;
	v12 =	vand.u32 $0xFFFFFC00, v19;
	v19 =	vshll.u32 v13, $0x3;
	v8 =	vld.idx.msk [tilespmem:v8+s10+$0x0], $0xffff  }
0x71: {  	v14 =	vand.u32 $0x7F, v14;
	v19 =	vand.u32 $0xFFFFFC00, v19;
	v20 =	vshll.u32 v15, $0x3;
	v9 =	vld.idx.msk [tilespmem:v9+s10+$0x0], $0xffff  }
0x72: {  	v13 =	vand.u32 $0x7F, v13;
	v20 =	vand.u32 $0xFFFFFC00, v20;
	v21 =	vshll.u32 v16, $0x3;
	v7 =	vld.idx.msk [tilespmem:v7+s10+$0x0], $0xffff  }
0x73: {  	v15 =	vand.u32 $0x7F, v15;
	v21 =	vand.u32 $0xFFFFFC00, v21;
	v22 =	vshll.u32 v17, $0x3;
	v6 =	vld.idx.msk [tilespmem:v6+s10+$0x0], $0xffff  }
0x74: {  	v23 =	vand.u32 $0x7F, v18;
	v18 =	vshll.u32 v18, $0x3;
	v22 =	vand.u32 $0xFFFFFC00, v22;
	v24 =	vld.idx.msk [tilespmem:v3+s10+$0x0], $0xffff  }
0x75: {  	v16 =	vand.u32 $0x7F, v16;
	v17 =	vand.u32 $0x7F, v17;
	v18 =	vand.u32 $0xFFFFFC00, v18;
	v5 =	vld.idx.msk [tilespmem:v5+s10+$0x0], $0xffff  }
0x76: {  	v25 =	vor.u32 v11, v10;
	v10 =	vor.u32 $0x80, v3;
	v23 =	vor.u32 v23, v18;
	v4 =	vld.idx.msk [tilespmem:v4+s10+$0x0], $0xffff;
	[tilespmem:s24+$0x150] =	vst v8  }
0x77: {  	v26 =	vor.u32 v14, v12;
	v27 =	vor.u32 v13, v19;
	v28 =	vor.u32 v15, v20;
	[tilespmem:s24+$0x160] =	vst v9  }
0x78: {  	v21 =	vor.u32 v16, v21;
	v22 =	vor.u32 v17, v22;
	v8 =	vor.u32 $0x80, v23;
	[tilespmem:s24+$0x180] =	vst v7;
	v2 =	vld.idx.msk [tilespmem:v2+s10+$0x0], $0xffff  }
0x79: {  	v29 =	vor.u32 $0x80, v27;
	v9 =	vor.u32 $0x80, v26;
	v7 =	vor.u32 $0x80, v25;
	s24 =	sadd.s32 $0x400, s24;
	[tilespmem:s25+$0x190] =	vst v6;
	v1 =	vld.idx.msk [tilespmem:v1+s10+$0x0], $0xffff  }
0x7a: {  	v30 =	vor.u32 $0x80, v28;
	v31 =	vor.u32 $0x80, v21;
	v32 =	vor.u32 $0x80, v22;
	[tilespmem:s24+$0xFFFFFE70] =	vst v24;
	v0 =	vld.idx.msk [tilespmem:v0+s10+$0x0], $0xffff  }
0x7b: {  	v33 =	vor.u32 $0x100, v25;
	v34 =	vor.u32 $0x100, v26;
	v24 =	vor.u32 $0x100, v23;
	v6 =	vld.idx.msk [tilespmem:v10+s10+$0x0], $0xffff;
	[tilespmem:s25+$0x1A0] =	vst v5  }
0x7c: {  	v35 =	vor.u32 $0x100, v27;
	v36 =	vor.u32 $0x100, v28;
	v37 =	vor.u32 $0x100, v21;
	v5 =	vld.idx.msk [tilespmem:v23+s10+$0x0], $0xffff;
	[tilespmem:s25+$0x1B0] =	vst v4  }
0x7d: {  	v39 =	vor.u32 $0x100, v22;
	v38 =	vor.u32 $0x180, v23;
	v10 =	vor.u32 $0x100, v3;
	v4 =	vld.idx.msk [tilespmem:v25+s10+$0x0], $0xffff  }
0x7e: {  	v40 =	vor.u32 $0x180, v25;
	v41 =	vor.u32 $0x180, v26;
	v42 =	vor.u32 $0x180, v27;
	v11 =	vld.idx.msk [tilespmem:v26+s10+$0x0], $0xffff;
	[tilespmem:s25+$0x1C0] =	vst v2  }
0x7f: {  	v43 =	vor.u32 $0x180, v28;
	v44 =	vor.u32 $0x180, v21;
	v45 =	vor.u32 $0x180, v22;
	v2 =	vld.idx.msk [tilespmem:v27+s10+$0x0], $0xffff;
	[tilespmem:s25+$0x1D0] =	vst v1  }
0x80: {  	v47 =	vor.u32 $0x200, v25;
	v48 =	vor.u32 $0x200, v26;
	v46 =	vor.u32 $0x200, v23;
	v1 =	vld.idx.msk [tilespmem:v28+s10+$0x0], $0xffff;
	[tilespmem:s25+$0x1E0] =	vst v0;
	s25 =	smov.u32 s24  }
0x81: {  	v49 =	vor.u32 $0x200, v27;
	v50 =	vor.u32 $0x200, v28;
	v51 =	vor.u32 $0x200, v21;
	v0 =	vld.idx.msk [tilespmem:v21+s10+$0x0], $0xffff;
	[tilespmem:s24+$0xFFFFFEF0] =	vst v6  }
0x82: {  	v18 =	vor.u32 $0x280, v25;
	v53 =	vor.u32 $0x200, v22;
	v52 =	vor.u32 $0x280, v23;
	[tilespmem:s24+$0xFFFFFE00] =	vst v5;
	v54 =	vld.idx.msk [tilespmem:v10+s10+$0x0], $0xffff  }
0x83: {  	v20 =	vor.u32 $0x280, v26;
	v19 =	vor.u32 $0x280, v27;
	v15 =	vor.u32 $0x280, v28;
	[tilespmem:s24+$0xFFFFFE10] =	vst v4;
	v55 =	vld.idx.msk [tilespmem:v22+s10+$0x0], $0xffff  }
0x84: {  	v57 =	vor.u32 $0x180, v3;
	v17 =	vor.u32 $0x280, v21;
	v16 =	vor.u32 $0x280, v22;
	v56 =	vld.idx.msk [tilespmem:v8+s10+$0x0], $0xffff;
	[tilespmem:s24+$0xFFFFFE20] =	vst v11  }
0x85: {  	v13 =	vor.u32 $0x300, v25;
	v14 =	vor.u32 $0x300, v23;
	v10 =	vor.u32 $0x300, v26;
	v58 =	vld.idx.msk [tilespmem:v7+s10+$0x0], $0xffff;
	[tilespmem:s24+$0xFFFFFE30] =	vst v2  }
0x86: {  	v12 =	vor.u32 $0x300, v27;
	v11 =	vor.u32 $0x300, v28;
	v8 =	vor.u32 $0x300, v21;
	v59 =	vld.idx.msk [tilespmem:v9+s10+$0x0], $0xffff;
	[tilespmem:s24+$0xFFFFFE40] =	vst v1  }
0x87: {  	v6 =	vor.u32 $0x380, v25;
	v7 =	vor.u32 $0x380, v23;
	v9 =	vor.u32 $0x300, v22;
	v23 =	vld.idx.msk [tilespmem:v29+s10+$0x0], $0xffff;
	[tilespmem:s24+$0xFFFFFE50] =	vst v0  }
0x88: {  	v5 =	vor.u32 $0x380, v26;
	v4 =	vor.u32 $0x380, v27;
	v2 =	vor.u32 $0x380, v28;
	v25 =	vld.idx.msk [tilespmem:v30+s10+$0x0], $0xffff;
	[tilespmem:s24+$0xFFFFFF70] =	vst v54  }
0x89: {  	v1 =	vor.u32 $0x380, v21;
	v0 =	vor.u32 $0x380, v22;
	[tilespmem:s24+$0xFFFFFE60] =	vst v55;
	v21 =	vld.idx.msk [tilespmem:v57+s10+$0x0], $0xffff  }
0x8a: {  	[tilespmem:s24+$0xFFFFFE80] =	vst v56;
	v22 =	vld.idx.msk [tilespmem:v31+s10+$0x0], $0xffff  }
0x8b: {  	v27 =	vor.u32 $0x200, v3;
	[tilespmem:s24+$0xFFFFFE90] =	vst v58;
	v26 =	vld.idx.msk [tilespmem:v32+s10+$0x0], $0xffff  }
0x8c: {  	v24 =	vld.idx.msk [tilespmem:v24+s10+$0x0], $0xffff;
	[tilespmem:s24+$0xFFFFFEA0] =	vst v59  }
0x8d: {  	v28 =	vld.idx.msk [tilespmem:v33+s10+$0x0], $0xffff;
	[tilespmem:s24+$0xFFFFFEB0] =	vst v23  }
0x8e: {  	v23 =	vld.idx.msk [tilespmem:v34+s10+$0x0], $0xffff;
	[tilespmem:s24+$0xFFFFFEC0] =	vst v25  }
0x8f: {  	v25 =	vld.idx.msk [tilespmem:v35+s10+$0x0], $0xffff;
	[tilespmem:s24+$0xFFFFFFF0] =	vst v21  }
0x90: {  	[tilespmem:s24+$0xFFFFFED0] =	vst v22;
	v21 =	vld.idx.msk [tilespmem:v27+s10+$0x0], $0xffff  }
0x91: {  	v22 =	vld.idx.msk [tilespmem:v36+s10+$0x0], $0xffff;
	[tilespmem:s24+$0xFFFFFEE0] =	vst v26  }
0x92: {  	v26 =	vor.u32 $0x280, v3;
	[tilespmem:s24+$0xFFFFFF00] =	vst v24;
	v24 =	vld.idx.msk [tilespmem:v37+s10+$0x0], $0xffff  }
0x93: {  	[tilespmem:s24+$0xFFFFFF10] =	vst v28;
	v27 =	vld.idx.msk [tilespmem:v39+s10+$0x0], $0xffff  }
0x94: {  	v28 =	vld.idx.msk [tilespmem:v38+s10+$0x0], $0xffff;
	[tilespmem:s24+$0xFFFFFF20] =	vst v23  }
0x95: {  	v23 =	vld.idx.msk [tilespmem:v40+s10+$0x0], $0xffff;
	[tilespmem:s24+$0xFFFFFF30] =	vst v25  }
0x96: {  	v25 =	vld.idx.msk [tilespmem:v41+s10+$0x0], $0xffff;
	[tilespmem:s24+$0x70] =	vst v21  }
0x97: {  	[tilespmem:s24+$0xFFFFFF40] =	vst v22;
	v21 =	vld.idx.msk [tilespmem:v26+s10+$0x0], $0xffff  }
0x98: {  	v22 =	vld.idx.msk [tilespmem:v42+s10+$0x0], $0xffff;
	[tilespmem:s24+$0xFFFFFF50] =	vst v24  }
0x99: {  	v26 =	vor.u32 $0x300, v3;
	v24 =	vld.idx.msk [tilespmem:v43+s10+$0x0], $0xffff;
	[tilespmem:s24+$0xFFFFFF60] =	vst v27  }
0x9a: {  	[tilespmem:s24+$0xFFFFFF80] =	vst v28;
	v27 =	vld.idx.msk [tilespmem:v44+s10+$0x0], $0xffff  }
0x9b: {  	[tilespmem:s24+$0xFFFFFF90] =	vst v23;
	v23 =	vld.idx.msk [tilespmem:v45+s10+$0x0], $0xffff  }
0x9c: {  	v28 =	vld.idx.msk [tilespmem:v46+s10+$0x0], $0xffff;
	[tilespmem:s24+$0xFFFFFFA0] =	vst v25  }
0x9d: {  	v25 =	vld.idx.msk [tilespmem:v47+s10+$0x0], $0xffff;
	[tilespmem:s24+$0xF0] =	vst v21  }
0x9e: {  	[tilespmem:s24+$0xFFFFFFB0] =	vst v22;
	v21 =	vld.idx.msk [tilespmem:v26+s10+$0x0], $0xffff  }
0x9f: {  	v22 =	vld.idx.msk [tilespmem:v48+s10+$0x0], $0xffff;
	[tilespmem:s24+$0xFFFFFFC0] =	vst v24  }
0xa0: {  	v3 =	vor.u32 $0x380, v3;
	v24 =	vld.idx.msk [tilespmem:v49+s10+$0x0], $0xffff;
	[tilespmem:s24+$0xFFFFFFD0] =	vst v27  }
0xa1: {  	v26 =	vld.idx.msk [tilespmem:v50+s10+$0x0], $0xffff;
	[tilespmem:s24+$0xFFFFFFE0] =	vst v23  }
0xa2: {  	[tilespmem:s24+$0x0] =	vst v28;
	v23 =	vld.idx.msk [tilespmem:v51+s10+$0x0], $0xffff  }
0xa3: {  	[tilespmem:s24+$0x10] =	vst v25;
	v25 =	vld.idx.msk [tilespmem:v53+s10+$0x0], $0xffff  }
0xa4: {  	v27 =	vld.idx.msk [tilespmem:v52+s10+$0x0], $0xffff;
	[tilespmem:s24+$0x170] =	vst v21  }
0xa5: {  	[tilespmem:s24+$0x20] =	vst v22;
	v3 =	vld.idx.msk [tilespmem:v3+s10+$0x0], $0xffff  }
0xa6: {  	v18 =	vld.idx.msk [tilespmem:v18+s10+$0x0], $0xffff;
	[tilespmem:s24+$0x30] =	vst v24  }
0xa7: {  	v20 =	vld.idx.msk [tilespmem:v20+s10+$0x0], $0xffff;
	[tilespmem:s24+$0x40] =	vst v26  }
0xa8: {  	v19 =	vld.idx.msk [tilespmem:v19+s10+$0x0], $0xffff;
	[tilespmem:s24+$0x50] =	vst v23  }
0xa9: {  	v21 =	vld.idx.msk [tilespmem:v15+s10+$0x0], $0xffff;
	[tilespmem:s24+$0x60] =	vst v25  }
0xaa: {  	[tilespmem:s24+$0x80] =	vst v27;
	v17 =	vld.idx.msk [tilespmem:v17+s10+$0x0], $0xffff  }
0xab: {  	v15 =	vld.idx.msk [tilespmem:v16+s10+$0x0], $0xffff;
	[tilespmem:s24+$0x1F0] =	vst v3  }
.Ltmp3:
0xac: {  	v14 =	vld.idx.msk [tilespmem:v14+s10+$0x0], $0xffff;
	[tilespmem:s24+$0x90] =	vst v18;
	(pc) =	sbr.rel @p2 .LBB2_4-.Ltmp3, $4  }
0xad: {  	v13 =	vld.idx.msk [tilespmem:v13+s10+$0x0], $0xffff;
	[tilespmem:s24+$0xA0] =	vst v20  }
0xae: {  	v16 =	vld.idx.msk [tilespmem:v10+s10+$0x0], $0xffff;
	[tilespmem:s24+$0xB0] =	vst v19  }
0xaf: {  	v3 =	vld.idx.msk [tilespmem:v12+s10+$0x0], $0xffff;
	[tilespmem:s24+$0xC0] =	vst v21  }
0xb0: {  	s28 =	sadd.s32 $0x400, s28;
	v10 =	vld.idx.msk [tilespmem:v11+s10+$0x0], $0xffff;
	[tilespmem:s24+$0xD0] =	vst v17  }
0xb1: {  	_ =	sdelay $0x2  }
0xb2: {  	[tilespmem:s24+$0xE0] =	vst v15  }
0xb3: {  	[tilespmem:s24+$0x100] =	vst v14;
	v8 =	vld.idx.msk [tilespmem:v8+s10+$0x0], $0xffff  }
0xb4: {  	[tilespmem:s24+$0x110] =	vst v13;
	v9 =	vld.idx.msk [tilespmem:v9+s10+$0x0], $0xffff  }
0xb5: {  	v7 =	vld.idx.msk [tilespmem:v7+s10+$0x0], $0xffff;
	[tilespmem:s24+$0x120] =	vst v16  }
0xb6: {  	[tilespmem:s24+$0x130] =	vst v3;
	v3 =	vld.idx.msk [tilespmem:v6+s10+$0x0], $0xffff  }
0xb7: {  	v5 =	vld.idx.msk [tilespmem:v5+s10+$0x0], $0xffff;
	[tilespmem:s24+$0x140] =	vst v10  }
0xb8: {  	v4 =	vld.idx.msk [tilespmem:v4+s10+$0x0], $0xffff;
	[tilespmem:s24+$0x150] =	vst v8  }
0xb9: {  	v2 =	vld.idx.msk [tilespmem:v2+s10+$0x0], $0xffff;
	[tilespmem:s24+$0x160] =	vst v9  }
0xba: {  	[tilespmem:s24+$0x180] =	vst v7;
	v1 =	vld.idx.msk [tilespmem:v1+s10+$0x0], $0xffff  }
0xbb: {  	v0 =	vld.idx.msk [tilespmem:v0+s10+$0x0], $0xffff;
	[tilespmem:s25+$0x190] =	vst v3  }
0xbc: {  	s31 =	smul.u32 $0x1F4000, s21;
	[tilespmem:s25+$0x1A0] =	vst v5  }
0xbd: {  	[tilespmem:s25+$0x1B0] =	vst v4  }
0xbe: {  	s24 =	sadd.s32 s17, s31;
	[tilespmem:s25+$0x1C0] =	vst v2  }
0xbf: {  	s24 =	sshrl.u32 s24, $0x3;
	[tilespmem:s25+$0x1D0] =	vst v1  }
0xc0: {  	s24 =	sadd.s32 s2, s24;
	[tilespmem:s25+$0x1E0] =	vst v0  }
0xc1: {  	[hbm4b:s24+s3] =	stream.linear.scatter [tilespmem:s11], [sflag:$0x1], $0x2000, $0x38;
	[tilespmem:$0x14000] =	vst v63  }
0xc2: {  	s24 =	simm.s32 @!p1 $0x2  }
0xc3: {  	_ =	swait.ge @!p1 [sflag:s24], $0x2000  }
0xc4: {  	[sflag:s24] =	ssyncset.done @!p1 $0x0  }
0xc5: {  	[sflag:s24] =	ssyncadd.s32 @!p1 $0xFFFFE000  }
0xc6: {  	v0 =	vld [tilespmem:s22+$0x0]  }
0xc7: {  	v1 =	vld [tilespmem:s22+$0xFFFFFFA0]  }
0xc8: {  	v6 =	vld [tilespmem:s22+$0xFFFFFFC0]  }
0xc9: {  	v3 =	vld [tilespmem:s22+$0xFFFFFFB0]  }
0xca: {  	v5 =	vld [tilespmem:s22+$0xFFFFFF90]  }
0xcb: {  	v2 =	vshll.u32 v0, $0x3  }
0xcc: {  	v0 =	vand.u32 $0x7F, v0;
	v2 =	vand.u32 $0xFFFFFC00, v2  }
0xcd: {  	v13 =	vshll.u32 v6, $0x3;
	v4 =	vor.u32 v0, v2;
	v0 =	vshll.u32 v1, $0x3  }
0xce: {  	v6 =	vand.u32 $0x7F, v6;
	v2 =	vand.u32 $0xFFFFFC00, v0;
	v0 =	vshll.u32 v3, $0x3  }
0xcf: {  	v8 =	vld [tilespmem:s22+$0xFFFFFFE0];
	v1 =	vand.u32 $0x7F, v1;
	v9 =	vand.u32 $0xFFFFFC00, v0;
	v0 =	vshll.u32 v5, $0x3  }
0xd0: {  	v7 =	vld [tilespmem:s22+$0xFFFFFFD0];
	v5 =	vand.u32 $0x7F, v5;
	v2 =	vor.u32 v1, v2;
	v0 =	vand.u32 $0xFFFFFC00, v0  }
0xd1: {  	v3 =	vand.u32 $0x7F, v3;
	v0 =	vor.u32 v5, v0;
	v5 =	vand.u32 $0xFFFFFC00, v13  }
0xd2: {  	v1 =	vor.u32 v3, v9;
	v10 =	vld.idx.msk [tilespmem:v4+s10+$0x0], $0xffff;
	v3 =	vor.u32 v6, v5  }
0xd3: {  	v12 =	vld [tilespmem:s22+$0xFFFFFFF0];
	v11 =	vor.u32 $0x80, v4  }
0xd4: {  	v9 =	vshll.u32 v8, $0x3  }
0xd5: {  	v13 =	vshll.u32 v7, $0x3;
	v5 =	vand.u32 $0xFFFFFC00, v9;
	v9 =	vld.idx.msk [tilespmem:v2+s10+$0x0], $0xffff  }
0xd6: {  	s24 =	simm.s32 $0x12200;
	v15 =	vor.u32 $0x80, v2;
	v7 =	vand.u32 $0x7F, v7;
	v13 =	vand.u32 $0xFFFFFC00, v13  }
0xd7: {  	v6 =	vand.u32 $0x7F, v8;
	[tilespmem:s24+$0xFFFFFE70] =	vst v10;
	v10 =	vor.u32 v7, v13;
	v14 =	vld.idx.msk [tilespmem:v3+s10+$0x0], $0xffff  }
0xd8: {  	v8 =	vshll.u32 v12, $0x3;
	v7 =	vld.idx.msk [tilespmem:v11+s10+$0x0], $0xffff;
	v11 =	vor.u32 v6, v5  }
0xd9: {  	v13 =	vor.u32 $0x100, v4;
	v5 =	vld.idx.msk [tilespmem:v0+s10+$0x0], $0xffff;
	v6 =	vand.u32 $0xFFFFFC00, v8;
	v8 =	vand.u32 $0x7F, v12  }
0xda: {  	v12 =	vor.u32 v8, v6;
	v6 =	vld.idx.msk [tilespmem:v1+s10+$0x0], $0xffff;
	v8 =	vor.u32 $0x80, v0;
	[tilespmem:s24+$0xFFFFFE10] =	vst v9  }
0xdb: {  	v15 =	vld.idx.msk [tilespmem:v15+s10+$0x0], $0xffff  }
0xdc: {  	v17 =	vor.u32 $0x80, v1;
	v16 =	vld.idx.msk [tilespmem:v10+s10+$0x0], $0xffff  }
0xdd: {  	v18 =	vld.idx.msk [tilespmem:v11+s10+$0x0], $0xffff;
	[tilespmem:s24+$0xFFFFFEF0] =	vst v7;
	v7 =	vor.u32 $0x80, v3  }
0xde: {  	[tilespmem:s24+$0xFFFFFE00] =	vst v5;
	v5 =	vld.idx.msk [tilespmem:v13+s10+$0x0], $0xffff;
	v13 =	vor.u32 $0x80, v10  }
0xdf: {  	v19 =	vor.u32 $0x80, v11;
	[tilespmem:s24+$0xFFFFFE30] =	vst v14;
	v8 =	vld.idx.msk [tilespmem:v8+s10+$0x0], $0xffff  }
0xe0: {  	v9 =	vld.idx.msk [tilespmem:v12+s10+$0x0], $0xffff;
	[tilespmem:s24+$0xFFFFFE20] =	vst v6;
	v6 =	vor.u32 $0x180, v4  }
0xe1: {  	v14 =	vor.u32 $0x80, v12;
	v17 =	vld.idx.msk [tilespmem:v17+s10+$0x0], $0xffff;
	[tilespmem:s24+$0xFFFFFE40] =	vst v16  }
0xe2: {  	v16 =	vor.u32 $0x100, v0;
	v7 =	vld.idx.msk [tilespmem:v7+s10+$0x0], $0xffff;
	[tilespmem:s24+$0xFFFFFE50] =	vst v18  }
0xe3: {  	v18 =	vor.u32 $0x100, v2;
	v13 =	vld.idx.msk [tilespmem:v13+s10+$0x0], $0xffff;
	[tilespmem:s24+$0xFFFFFF70] =	vst v5  }
0xe4: {  	v5 =	vor.u32 $0x100, v1;
	[tilespmem:s24+$0xFFFFFE80] =	vst v8;
	v8 =	vld.idx.msk [tilespmem:v19+s10+$0x0], $0xffff  }
0xe5: {  	[tilespmem:s24+$0xFFFFFE60] =	vst v9;
	v9 =	vor.u32 $0x100, v3;
	v6 =	vld.idx.msk [tilespmem:v6+s10+$0x0], $0xffff  }
0xe6: {  	[tilespmem:s24+$0xFFFFFE90] =	vst v15;
	v19 =	vor.u32 $0x100, v10;
	v14 =	vld.idx.msk [tilespmem:v14+s10+$0x0], $0xffff  }
0xe7: {  	[tilespmem:s24+$0xFFFFFEA0] =	vst v17;
	v17 =	vor.u32 $0x100, v11;
	v16 =	vld.idx.msk [tilespmem:v16+s10+$0x0], $0xffff  }
0xe8: {  	v15 =	vor.u32 $0x200, v4;
	v18 =	vld.idx.msk [tilespmem:v18+s10+$0x0], $0xffff;
	[tilespmem:s24+$0xFFFFFEB0] =	vst v7  }
0xe9: {  	v7 =	vor.u32 $0x100, v12;
	v5 =	vld.idx.msk [tilespmem:v5+s10+$0x0], $0xffff;
	[tilespmem:s24+$0xFFFFFEC0] =	vst v13  }
0xea: {  	v13 =	vor.u32 $0x180, v0;
	v9 =	vld.idx.msk [tilespmem:v9+s10+$0x0], $0xffff;
	[tilespmem:s24+$0xFFFFFED0] =	vst v8  }
0xeb: {  	[tilespmem:s24+$0xFFFFFFF0] =	vst v6;
	v6 =	vor.u32 $0x180, v2;
	v19 =	vld.idx.msk [tilespmem:v19+s10+$0x0], $0xffff  }
0xec: {  	[tilespmem:s24+$0xFFFFFEE0] =	vst v14;
	v14 =	vld.idx.msk [tilespmem:v17+s10+$0x0], $0xffff;
	v17 =	vor.u32 $0x180, v3  }
0xed: {  	v8 =	vld.idx.msk [tilespmem:v15+s10+$0x0], $0xffff;
	v15 =	vor.u32 $0x180, v1;
	[tilespmem:s24+$0xFFFFFF00] =	vst v16  }
0xee: {  	v16 =	vor.u32 $0x280, v4;
	[tilespmem:s24+$0xFFFFFF10] =	vst v18;
	v7 =	vld.idx.msk [tilespmem:v7+s10+$0x0], $0xffff  }
0xef: {  	v18 =	vor.u32 $0x180, v10;
	v13 =	vld.idx.msk [tilespmem:v13+s10+$0x0], $0xffff;
	[tilespmem:s24+$0xFFFFFF20] =	vst v5  }
0xf0: {  	v5 =	vor.u32 $0x180, v11;
	[tilespmem:s24+$0xFFFFFF30] =	vst v9;
	v6 =	vld.idx.msk [tilespmem:v6+s10+$0x0], $0xffff  }
0xf1: {  	v9 =	vor.u32 $0x180, v12;
	[tilespmem:s24+$0xFFFFFF40] =	vst v19;
	v17 =	vld.idx.msk [tilespmem:v17+s10+$0x0], $0xffff  }
0xf2: {  	v15 =	vld.idx.msk [tilespmem:v15+s10+$0x0], $0xffff;
	[tilespmem:s24+$0x70] =	vst v8;
	v8 =	vor.u32 $0x200, v0  }
0xf3: {  	v19 =	vor.u32 $0x200, v2;
	[tilespmem:s24+$0xFFFFFF50] =	vst v14;
	v16 =	vld.idx.msk [tilespmem:v16+s10+$0x0], $0xffff  }
0xf4: {  	v14 =	vld.idx.msk [tilespmem:v18+s10+$0x0], $0xffff;
	[tilespmem:s24+$0xFFFFFF60] =	vst v7;
	v7 =	vor.u32 $0x300, v4  }
0xf5: {  	v18 =	vor.u32 $0x200, v1;
	[tilespmem:s24+$0xFFFFFF80] =	vst v13;
	v5 =	vld.idx.msk [tilespmem:v5+s10+$0x0], $0xffff  }
0xf6: {  	v13 =	vor.u32 $0x200, v3;
	[tilespmem:s24+$0xFFFFFF90] =	vst v6;
	v6 =	vld.idx.msk [tilespmem:v9+s10+$0x0], $0xffff  }
0xf7: {  	v9 =	vor.u32 $0x200, v10;
	v8 =	vld.idx.msk [tilespmem:v8+s10+$0x0], $0xffff;
	[tilespmem:s24+$0xFFFFFFA0] =	vst v15  }
0xf8: {  	v15 =	vor.u32 $0x200, v11;
	v19 =	vld.idx.msk [tilespmem:v19+s10+$0x0], $0xffff;
	[tilespmem:s24+$0xF0] =	vst v16  }
0xf9: {  	[tilespmem:s24+$0xFFFFFFB0] =	vst v17;
	v16 =	vor.u32 $0x200, v12;
	v7 =	vld.idx.msk [tilespmem:v7+s10+$0x0], $0xffff  }
0xfa: {  	v17 =	vor.u32 $0x280, v0;
	v18 =	vld.idx.msk [tilespmem:v18+s10+$0x0], $0xffff;
	[tilespmem:s24+$0xFFFFFFC0] =	vst v14  }
0xfb: {  	v4 =	vor.u32 $0x380, v4;
	v13 =	vld.idx.msk [tilespmem:v13+s10+$0x0], $0xffff;
	[tilespmem:s24+$0xFFFFFFD0] =	vst v5  }
0xfc: {  	v5 =	vor.u32 $0x280, v2;
	v9 =	vld.idx.msk [tilespmem:v9+s10+$0x0], $0xffff;
	[tilespmem:s24+$0xFFFFFFE0] =	vst v6  }
0xfd: {  	v6 =	vor.u32 $0x280, v1;
	[tilespmem:s24+$0x0] =	vst v8;
	v8 =	vld.idx.msk [tilespmem:v15+s10+$0x0], $0xffff  }
0xfe: {  	v14 =	vor.u32 $0x280, v3;
	[tilespmem:s24+$0x10] =	vst v19;
	v15 =	vld.idx.msk [tilespmem:v16+s10+$0x0], $0xffff  }
0xff: {  	v16 =	vor.u32 $0x280, v10;
	v17 =	vld.idx.msk [tilespmem:v17+s10+$0x0], $0xffff;
	[tilespmem:s24+$0x170] =	vst v7  }
0x100: {  	v7 =	vor.u32 $0x280, v11;
	[tilespmem:s24+$0x20] =	vst v18;
	v4 =	vld.idx.msk [tilespmem:v4+s10+$0x0], $0xffff  }
0x101: {  	v18 =	vor.u32 $0x280, v12;
	v5 =	vld.idx.msk [tilespmem:v5+s10+$0x0], $0xffff;
	[tilespmem:s24+$0x30] =	vst v13  }
0x102: {  	v13 =	vor.u32 $0x300, v0;
	v6 =	vld.idx.msk [tilespmem:v6+s10+$0x0], $0xffff;
	[tilespmem:s24+$0x40] =	vst v9  }
0x103: {  	v9 =	vor.u32 $0x300, v2;
	v19 =	vld.idx.msk [tilespmem:v14+s10+$0x0], $0xffff;
	[tilespmem:s24+$0x50] =	vst v8  }
0x104: {  	v20 =	vor.u32 $0x300, v1;
	v21 =	vld.idx.msk [tilespmem:v16+s10+$0x0], $0xffff;
	[tilespmem:s24+$0x60] =	vst v15  }
0x105: {  	v22 =	vor.u32 $0x300, v3;
	[tilespmem:s24+$0x80] =	vst v17;
	v17 =	vld.idx.msk [tilespmem:v7+s10+$0x0], $0xffff  }
0x106: {  	v23 =	vor.u32 $0x300, v10;
	v15 =	vld.idx.msk [tilespmem:v18+s10+$0x0], $0xffff;
	[tilespmem:s24+$0x1F0] =	vst v4  }
0x107: {  	v14 =	vld.idx.msk [tilespmem:v13+s10+$0x0], $0xffff;
	[tilespmem:s24+$0x90] =	vst v5  }
0x108: {  	v13 =	vld.idx.msk [tilespmem:v9+s10+$0x0], $0xffff;
	[tilespmem:s24+$0xA0] =	vst v6  }
0x109: {  	v8 =	vor.u32 $0x300, v11;
	v7 =	vor.u32 $0x380, v0;
	v0 =	vor.u32 $0x380, v12;
	[tilespmem:s24+$0xB0] =	vst v19;
	v16 =	vld.idx.msk [tilespmem:v20+s10+$0x0], $0xffff  }
0x10a: {  	s23 =	sor.u32 $0x1, s23;
	v5 =	vor.u32 $0x380, v1;
	v4 =	vor.u32 $0x380, v3;
	v1 =	vor.u32 $0x380, v11;
	v3 =	vld.idx.msk [tilespmem:v22+s10+$0x0], $0xffff;
	[tilespmem:s24+$0xC0] =	vst v21  }
0x10b: {  	s26 =	sadd.s32 $0x400, s22;
	s25 =	simm.s32 $0x0;
	s22 =	simm.s32 $0x12200;
	v6 =	vor.u32 $0x380, v2;
	v9 =	vor.u32 $0x300, v12;
	v2 =	vor.u32 $0x380, v10;
	v10 =	vld.idx.msk [tilespmem:v23+s10+$0x0], $0xffff;
	[tilespmem:s24+$0xD0] =	vst v17  }
.LBB2_6:
0x10c: {  	v11 =	vld [tilespmem:s26+$0x0];
	s25 =	sadd.s32 $0x80, s25;
	[tilespmem:s24+$0xE0] =	vst v15  }
0x10d: {  	v12 =	vld [tilespmem:s26+$0xFFFFFFA0];
	p1 =	slt.u32 s25, $0x380;
	[tilespmem:s24+$0x100] =	vst v14  }
0x10e: {  	v14 =	vld [tilespmem:s26+$0xFFFFFFB0];
	[tilespmem:s24+$0x110] =	vst v13  }
0x10f: {  	v13 =	vld [tilespmem:s26+$0xFFFFFFC0];
	[tilespmem:s24+$0x120] =	vst v16  }
0x110: {  	v15 =	vld [tilespmem:s26+$0xFFFFFFD0];
	[tilespmem:s24+$0x130] =	vst v3  }
0x111: {  	v16 =	vld [tilespmem:s26+$0xFFFFFFE0];
	v3 =	vshll.u32 v11, $0x3;
	[tilespmem:s24+$0x140] =	vst v10  }
0x112: {  	v11 =	vand.u32 $0x7F, v11;
	v10 =	vshll.u32 v12, $0x3;
	v17 =	vld [tilespmem:s26+$0xFFFFFFF0];
	v3 =	vand.u32 $0xFFFFFC00, v3  }
0x113: {  	v18 =	vld [tilespmem:s26+$0xFFFFFF90];
	v10 =	vand.u32 $0xFFFFFC00, v10;
	v19 =	vshll.u32 v14, $0x3;
	v3 =	vor.u32 v11, v3  }
0x114: {  	v11 =	vand.u32 $0x7F, v12;
	v12 =	vand.u32 $0xFFFFFC00, v19;
	v19 =	vshll.u32 v13, $0x3;
	v8 =	vld.idx.msk [tilespmem:v8+s10+$0x0], $0xffff  }
0x115: {  	v14 =	vand.u32 $0x7F, v14;
	v19 =	vand.u32 $0xFFFFFC00, v19;
	v20 =	vshll.u32 v15, $0x3;
	v9 =	vld.idx.msk [tilespmem:v9+s10+$0x0], $0xffff  }
0x116: {  	v13 =	vand.u32 $0x7F, v13;
	v20 =	vand.u32 $0xFFFFFC00, v20;
	v21 =	vshll.u32 v16, $0x3;
	v7 =	vld.idx.msk [tilespmem:v7+s10+$0x0], $0xffff  }
0x117: {  	v15 =	vand.u32 $0x7F, v15;
	v21 =	vand.u32 $0xFFFFFC00, v21;
	v22 =	vshll.u32 v17, $0x3;
	v6 =	vld.idx.msk [tilespmem:v6+s10+$0x0], $0xffff  }
0x118: {  	v23 =	vand.u32 $0x7F, v18;
	v18 =	vshll.u32 v18, $0x3;
	v22 =	vand.u32 $0xFFFFFC00, v22;
	v24 =	vld.idx.msk [tilespmem:v3+s10+$0x0], $0xffff  }
0x119: {  	v16 =	vand.u32 $0x7F, v16;
	v17 =	vand.u32 $0x7F, v17;
	v18 =	vand.u32 $0xFFFFFC00, v18;
	v5 =	vld.idx.msk [tilespmem:v5+s10+$0x0], $0xffff  }
0x11a: {  	v25 =	vor.u32 v11, v10;
	v10 =	vor.u32 $0x80, v3;
	v23 =	vor.u32 v23, v18;
	v4 =	vld.idx.msk [tilespmem:v4+s10+$0x0], $0xffff;
	[tilespmem:s24+$0x150] =	vst v8  }
0x11b: {  	v26 =	vor.u32 v14, v12;
	v27 =	vor.u32 v13, v19;
	v28 =	vor.u32 v15, v20;
	[tilespmem:s24+$0x160] =	vst v9  }
0x11c: {  	v21 =	vor.u32 v16, v21;
	v22 =	vor.u32 v17, v22;
	v8 =	vor.u32 $0x80, v23;
	[tilespmem:s24+$0x180] =	vst v7;
	v2 =	vld.idx.msk [tilespmem:v2+s10+$0x0], $0xffff  }
0x11d: {  	v29 =	vor.u32 $0x80, v27;
	v9 =	vor.u32 $0x80, v26;
	v7 =	vor.u32 $0x80, v25;
	s24 =	sadd.s32 $0x400, s24;
	[tilespmem:s22+$0x190] =	vst v6;
	v1 =	vld.idx.msk [tilespmem:v1+s10+$0x0], $0xffff  }
0x11e: {  	v30 =	vor.u32 $0x80, v28;
	v31 =	vor.u32 $0x80, v21;
	v32 =	vor.u32 $0x80, v22;
	[tilespmem:s24+$0xFFFFFE70] =	vst v24;
	v0 =	vld.idx.msk [tilespmem:v0+s10+$0x0], $0xffff  }
0x11f: {  	v33 =	vor.u32 $0x100, v25;
	v34 =	vor.u32 $0x100, v26;
	v24 =	vor.u32 $0x100, v23;
	v6 =	vld.idx.msk [tilespmem:v10+s10+$0x0], $0xffff;
	[tilespmem:s22+$0x1A0] =	vst v5  }
0x120: {  	v35 =	vor.u32 $0x100, v27;
	v36 =	vor.u32 $0x100, v28;
	v37 =	vor.u32 $0x100, v21;
	v5 =	vld.idx.msk [tilespmem:v23+s10+$0x0], $0xffff;
	[tilespmem:s22+$0x1B0] =	vst v4  }
0x121: {  	v39 =	vor.u32 $0x100, v22;
	v38 =	vor.u32 $0x180, v23;
	v10 =	vor.u32 $0x100, v3;
	v4 =	vld.idx.msk [tilespmem:v25+s10+$0x0], $0xffff  }
0x122: {  	v40 =	vor.u32 $0x180, v25;
	v41 =	vor.u32 $0x180, v26;
	v42 =	vor.u32 $0x180, v27;
	v11 =	vld.idx.msk [tilespmem:v26+s10+$0x0], $0xffff;
	[tilespmem:s22+$0x1C0] =	vst v2  }
0x123: {  	v43 =	vor.u32 $0x180, v28;
	v44 =	vor.u32 $0x180, v21;
	v45 =	vor.u32 $0x180, v22;
	v2 =	vld.idx.msk [tilespmem:v27+s10+$0x0], $0xffff;
	[tilespmem:s22+$0x1D0] =	vst v1  }
0x124: {  	v47 =	vor.u32 $0x200, v25;
	v48 =	vor.u32 $0x200, v26;
	v46 =	vor.u32 $0x200, v23;
	v1 =	vld.idx.msk [tilespmem:v28+s10+$0x0], $0xffff;
	[tilespmem:s22+$0x1E0] =	vst v0;
	s22 =	smov.u32 s24  }
0x125: {  	v49 =	vor.u32 $0x200, v27;
	v50 =	vor.u32 $0x200, v28;
	v51 =	vor.u32 $0x200, v21;
	v0 =	vld.idx.msk [tilespmem:v21+s10+$0x0], $0xffff;
	[tilespmem:s24+$0xFFFFFEF0] =	vst v6  }
0x126: {  	v18 =	vor.u32 $0x280, v25;
	v53 =	vor.u32 $0x200, v22;
	v52 =	vor.u32 $0x280, v23;
	[tilespmem:s24+$0xFFFFFE00] =	vst v5;
	v54 =	vld.idx.msk [tilespmem:v10+s10+$0x0], $0xffff  }
0x127: {  	v20 =	vor.u32 $0x280, v26;
	v19 =	vor.u32 $0x280, v27;
	v15 =	vor.u32 $0x280, v28;
	[tilespmem:s24+$0xFFFFFE10] =	vst v4;
	v55 =	vld.idx.msk [tilespmem:v22+s10+$0x0], $0xffff  }
0x128: {  	v57 =	vor.u32 $0x180, v3;
	v17 =	vor.u32 $0x280, v21;
	v16 =	vor.u32 $0x280, v22;
	v56 =	vld.idx.msk [tilespmem:v8+s10+$0x0], $0xffff;
	[tilespmem:s24+$0xFFFFFE20] =	vst v11  }
0x129: {  	v13 =	vor.u32 $0x300, v25;
	v14 =	vor.u32 $0x300, v23;
	v10 =	vor.u32 $0x300, v26;
	v58 =	vld.idx.msk [tilespmem:v7+s10+$0x0], $0xffff;
	[tilespmem:s24+$0xFFFFFE30] =	vst v2  }
0x12a: {  	v12 =	vor.u32 $0x300, v27;
	v11 =	vor.u32 $0x300, v28;
	v8 =	vor.u32 $0x300, v21;
	v59 =	vld.idx.msk [tilespmem:v9+s10+$0x0], $0xffff;
	[tilespmem:s24+$0xFFFFFE40] =	vst v1  }
0x12b: {  	v6 =	vor.u32 $0x380, v25;
	v7 =	vor.u32 $0x380, v23;
	v9 =	vor.u32 $0x300, v22;
	v23 =	vld.idx.msk [tilespmem:v29+s10+$0x0], $0xffff;
	[tilespmem:s24+$0xFFFFFE50] =	vst v0  }
0x12c: {  	v5 =	vor.u32 $0x380, v26;
	v4 =	vor.u32 $0x380, v27;
	v2 =	vor.u32 $0x380, v28;
	v25 =	vld.idx.msk [tilespmem:v30+s10+$0x0], $0xffff;
	[tilespmem:s24+$0xFFFFFF70] =	vst v54  }
0x12d: {  	v1 =	vor.u32 $0x380, v21;
	v0 =	vor.u32 $0x380, v22;
	[tilespmem:s24+$0xFFFFFE60] =	vst v55;
	v21 =	vld.idx.msk [tilespmem:v57+s10+$0x0], $0xffff  }
0x12e: {  	[tilespmem:s24+$0xFFFFFE80] =	vst v56;
	v22 =	vld.idx.msk [tilespmem:v31+s10+$0x0], $0xffff  }
0x12f: {  	v27 =	vor.u32 $0x200, v3;
	[tilespmem:s24+$0xFFFFFE90] =	vst v58;
	v26 =	vld.idx.msk [tilespmem:v32+s10+$0x0], $0xffff  }
0x130: {  	v24 =	vld.idx.msk [tilespmem:v24+s10+$0x0], $0xffff;
	[tilespmem:s24+$0xFFFFFEA0] =	vst v59  }
0x131: {  	v28 =	vld.idx.msk [tilespmem:v33+s10+$0x0], $0xffff;
	[tilespmem:s24+$0xFFFFFEB0] =	vst v23  }
0x132: {  	v23 =	vld.idx.msk [tilespmem:v34+s10+$0x0], $0xffff;
	[tilespmem:s24+$0xFFFFFEC0] =	vst v25  }
0x133: {  	v25 =	vld.idx.msk [tilespmem:v35+s10+$0x0], $0xffff;
	[tilespmem:s24+$0xFFFFFFF0] =	vst v21  }
0x134: {  	[tilespmem:s24+$0xFFFFFED0] =	vst v22;
	v21 =	vld.idx.msk [tilespmem:v27+s10+$0x0], $0xffff  }
0x135: {  	v22 =	vld.idx.msk [tilespmem:v36+s10+$0x0], $0xffff;
	[tilespmem:s24+$0xFFFFFEE0] =	vst v26  }
0x136: {  	v26 =	vor.u32 $0x280, v3;
	[tilespmem:s24+$0xFFFFFF00] =	vst v24;
	v24 =	vld.idx.msk [tilespmem:v37+s10+$0x0], $0xffff  }
0x137: {  	[tilespmem:s24+$0xFFFFFF10] =	vst v28;
	v27 =	vld.idx.msk [tilespmem:v39+s10+$0x0], $0xffff  }
0x138: {  	v28 =	vld.idx.msk [tilespmem:v38+s10+$0x0], $0xffff;
	[tilespmem:s24+$0xFFFFFF20] =	vst v23  }
0x139: {  	v23 =	vld.idx.msk [tilespmem:v40+s10+$0x0], $0xffff;
	[tilespmem:s24+$0xFFFFFF30] =	vst v25  }
0x13a: {  	v25 =	vld.idx.msk [tilespmem:v41+s10+$0x0], $0xffff;
	[tilespmem:s24+$0x70] =	vst v21  }
0x13b: {  	[tilespmem:s24+$0xFFFFFF40] =	vst v22;
	v21 =	vld.idx.msk [tilespmem:v26+s10+$0x0], $0xffff  }
0x13c: {  	v22 =	vld.idx.msk [tilespmem:v42+s10+$0x0], $0xffff;
	[tilespmem:s24+$0xFFFFFF50] =	vst v24  }
0x13d: {  	v26 =	vor.u32 $0x300, v3;
	v24 =	vld.idx.msk [tilespmem:v43+s10+$0x0], $0xffff;
	[tilespmem:s24+$0xFFFFFF60] =	vst v27  }
0x13e: {  	[tilespmem:s24+$0xFFFFFF80] =	vst v28;
	v27 =	vld.idx.msk [tilespmem:v44+s10+$0x0], $0xffff  }
0x13f: {  	[tilespmem:s24+$0xFFFFFF90] =	vst v23;
	v23 =	vld.idx.msk [tilespmem:v45+s10+$0x0], $0xffff  }
0x140: {  	v28 =	vld.idx.msk [tilespmem:v46+s10+$0x0], $0xffff;
	[tilespmem:s24+$0xFFFFFFA0] =	vst v25  }
0x141: {  	v25 =	vld.idx.msk [tilespmem:v47+s10+$0x0], $0xffff;
	[tilespmem:s24+$0xF0] =	vst v21  }
0x142: {  	[tilespmem:s24+$0xFFFFFFB0] =	vst v22;
	v21 =	vld.idx.msk [tilespmem:v26+s10+$0x0], $0xffff  }
0x143: {  	v22 =	vld.idx.msk [tilespmem:v48+s10+$0x0], $0xffff;
	[tilespmem:s24+$0xFFFFFFC0] =	vst v24  }
0x144: {  	v3 =	vor.u32 $0x380, v3;
	v24 =	vld.idx.msk [tilespmem:v49+s10+$0x0], $0xffff;
	[tilespmem:s24+$0xFFFFFFD0] =	vst v27  }
0x145: {  	v26 =	vld.idx.msk [tilespmem:v50+s10+$0x0], $0xffff;
	[tilespmem:s24+$0xFFFFFFE0] =	vst v23  }
0x146: {  	[tilespmem:s24+$0x0] =	vst v28;
	v23 =	vld.idx.msk [tilespmem:v51+s10+$0x0], $0xffff  }
0x147: {  	[tilespmem:s24+$0x10] =	vst v25;
	v25 =	vld.idx.msk [tilespmem:v53+s10+$0x0], $0xffff  }
0x148: {  	v27 =	vld.idx.msk [tilespmem:v52+s10+$0x0], $0xffff;
	[tilespmem:s24+$0x170] =	vst v21  }
0x149: {  	[tilespmem:s24+$0x20] =	vst v22;
	v3 =	vld.idx.msk [tilespmem:v3+s10+$0x0], $0xffff  }
0x14a: {  	v18 =	vld.idx.msk [tilespmem:v18+s10+$0x0], $0xffff;
	[tilespmem:s24+$0x30] =	vst v24  }
0x14b: {  	v20 =	vld.idx.msk [tilespmem:v20+s10+$0x0], $0xffff;
	[tilespmem:s24+$0x40] =	vst v26  }
0x14c: {  	v19 =	vld.idx.msk [tilespmem:v19+s10+$0x0], $0xffff;
	[tilespmem:s24+$0x50] =	vst v23  }
0x14d: {  	v21 =	vld.idx.msk [tilespmem:v15+s10+$0x0], $0xffff;
	[tilespmem:s24+$0x60] =	vst v25  }
0x14e: {  	[tilespmem:s24+$0x80] =	vst v27;
	v17 =	vld.idx.msk [tilespmem:v17+s10+$0x0], $0xffff  }
0x14f: {  	v15 =	vld.idx.msk [tilespmem:v16+s10+$0x0], $0xffff;
	[tilespmem:s24+$0x1F0] =	vst v3  }
.Ltmp4:
0x150: {  	v14 =	vld.idx.msk [tilespmem:v14+s10+$0x0], $0xffff;
	[tilespmem:s24+$0x90] =	vst v18;
	(pc) =	sbr.rel @p1 .LBB2_6-.Ltmp4, $4  }
0x151: {  	v13 =	vld.idx.msk [tilespmem:v13+s10+$0x0], $0xffff;
	[tilespmem:s24+$0xA0] =	vst v20  }
0x152: {  	v16 =	vld.idx.msk [tilespmem:v10+s10+$0x0], $0xffff;
	[tilespmem:s24+$0xB0] =	vst v19  }
0x153: {  	v3 =	vld.idx.msk [tilespmem:v12+s10+$0x0], $0xffff;
	[tilespmem:s24+$0xC0] =	vst v21  }
0x154: {  	s26 =	sadd.s32 $0x400, s26;
	v10 =	vld.idx.msk [tilespmem:v11+s10+$0x0], $0xffff;
	[tilespmem:s24+$0xD0] =	vst v17  }
0x155: {  	_ =	sdelay $0x2  }
0x156: {  	[tilespmem:s24+$0xE0] =	vst v15  }
0x157: {  	[tilespmem:s24+$0x100] =	vst v14;
	v8 =	vld.idx.msk [tilespmem:v8+s10+$0x0], $0xffff  }
0x158: {  	[tilespmem:s24+$0x110] =	vst v13;
	v9 =	vld.idx.msk [tilespmem:v9+s10+$0x0], $0xffff  }
0x159: {  	v7 =	vld.idx.msk [tilespmem:v7+s10+$0x0], $0xffff;
	[tilespmem:s24+$0x120] =	vst v16  }
0x15a: {  	v63 =	vld.idx.msk [tilespmem:v6+s10+$0x0], $0xffff;
	[tilespmem:s24+$0x130] =	vst v3  }
0x15b: {  	v5 =	vld.idx.msk [tilespmem:v5+s10+$0x0], $0xffff;
	[tilespmem:s24+$0x140] =	vst v10  }
0x15c: {  	v4 =	vld.idx.msk [tilespmem:v4+s10+$0x0], $0xffff;
	[tilespmem:s24+$0x150] =	vst v8  }
0x15d: {  	v2 =	vld.idx.msk [tilespmem:v2+s10+$0x0], $0xffff;
	[tilespmem:s24+$0x160] =	vst v9  }
0x15e: {  	[tilespmem:s24+$0x180] =	vst v7;
	v1 =	vld.idx.msk [tilespmem:v1+s10+$0x0], $0xffff  }
0x15f: {  	s21 =	sadd.s32 $0x1, s21;
	[tilespmem:s22+$0x190] =	vst v63;
	v0 =	vld.idx.msk [tilespmem:v0+s10+$0x0], $0xffff  }
0x160: {  	s23 =	smul.u32 $0xFA000, s23;
	p1 =	sne.s32 s21, $0x19;
	[tilespmem:s22+$0x1A0] =	vst v5  }
.Ltmp5:
0x161: {  	[tilespmem:s22+$0x1B0] =	vst v4;
	(pc) =	sbr.rel @p1 .LBB2_3-.Ltmp5, $4  }
0x162: {  	s23 =	sadd.s32 s17, s23;
	[tilespmem:s22+$0x1C0] =	vst v2  }
0x163: {  	s20 =	sadd.s32 $0x800, s20;
	s23 =	sshrl.u32 s23, $0x3;
	[tilespmem:s22+$0x1D0] =	vst v1  }
0x164: {  	s19 =	sadd.s32 $0x1, s19;
	s18 =	sadd.s32 $0x2, s18;
	s31 =	sadd.s32 s2, s23;
	[tilespmem:s22+$0x1E0] =	vst v0  }
0x165: {  	[hbm4b:s31+s3] =	stream.linear.scatter [tilespmem:s12], [sflag:$0x2], $0x2000, $0x38;
	[tilespmem:$0x14000] =	vst v63  }
0x166: {  	s16 =	sadd.s32 $0x1, s16  }
0x167: {  	_ =	swait.ge [sflag:s13], $0x2000;
	p1 =	slt.s32 s16, s7  }
.Ltmp6:
0x168: {  	[sflag:s13] =	ssyncset.done $0x0;
	(pc) =	sbr.rel @p1 .LBB2_2-.Ltmp6, $4  }
.Ltmp7:
0x169: {  	[sflag:s13] =	ssyncadd.s32 $0xFFFFE000;
	(pc) =	sbr.rel @!p1 .LBB2_9-.Ltmp7, $4  }
0x16a: {  	_ =	swait.ge [sflag:s14], $0x2000  }
0x16b: {  	[sflag:s14] =	ssyncset.done $0x0  }
0x16c: {  	[sflag:s14] =	ssyncadd.s32 $0xFFFFE000  }
0x16d: {  	_ = 	snop  }
.LBB2_10:
0x16e: {  	_ =	sfence.sel $0x180000  }
0x16f: {  	[bflag:$0x0] =	sbarrier.arrive $0xFFFF  }
0x170: {  	p0 =	sne.s32 s0, $0x0;
	_ =	strace $0x90000047  }
0x171: {  	s0 =	sadd.s32 @!p0 $0x100000, s1;
	[bflag:$0x2] =	sbarrier.arrive $0xFFFF  }
0x172: {  	[sflag:s0] =	ssyncadd.tile.s32 @!p0 $0x1;
	_ =	shalt  }
.Lfunc_end2:
_tile_overlayer_lowered:
.L_overlay_start_2:
0x173: {  	(tag) =	ssettag $0x2  }
0x174: {  	s0 =	rddreg [dreg:$0x0];
	s2 =	stileid.u32  }
0x175: {  	s1 =	rddreg [dreg:$0x1];
	p0 =	sne.s32 s2, $0x0  }
0x176: {  	s3 =	rddreg [dreg:$0x2];
	[bflag:$0x3] =	sbarrier.arrive $0xFFFF;
	s2 =	simm.s32 @!p0 $0x1C03  }
0x177: {  	[timem:s3], [sflag:s2] =	dma.local @!p0 [hbm:s0], s1  }
0x178: {  	s0 =	simm.s32 @!p0 $0x3  }
0x179: {  	_ =	swait.ge @!p0 [sflag:s0], s1  }
0x17a: {  	s1 =	ssub.s32 @!p0 $0x0, s1;
	[sflag:s0] =	ssyncset.done @!p0 $0x0  }
0x17b: {  	[sflag:s0] =	ssyncadd.s32 @!p0 s1  }
0x17c: {  	[bflag:$0x3] =	sbarrier.arrive $0xFFFF  }
0x17d: {  	_ =	shalt  }

</sc_bundles>
